<compile_context>
chip_gen: v7x
topology: tpu7x:2x2x1
jax: 0.10.2.dev20260603
libtpu: 0.0.44.dev20260713+nightly
codegen_flags: <defaults>
</compile_context>

<pallas_src>
import jax
import jax.numpy as jnp
from jax.experimental import pallas as pl
from jax.experimental.pallas import tpu as pltpu
from jax.experimental.pallas import tpu_sc as plsc

N_TOK = 16 * 576
N_EMB = 8192
D = 64
HALF = N_TOK // 2
BLK = 1152
NB = HALF // BLK
GW = 128
DP = 128


W = 1024
NCH = N_EMB // W


def _dist_argmin_kernel(x_ref, et2_ref, inorm_ref, wnorm_ref, idx_ref, md_ref):
    x = x_ref[...]
    i_col = inorm_ref[...]
    bv = bi = None
    for c in range(NCH):
        sl = pl.ds(c * W, W)
        s = jax.lax.dot_general(
            x, et2_ref[:, sl], (((1,), (0,)), ((), ())),
            preferred_element_type=jnp.float32)
        d = (i_col + wnorm_ref[:, sl]) + s
        ii = jax.lax.broadcasted_iota(jnp.int32, (BLK, W), 1) + (c * W)
        if bv is None:
            bv, bi = d, ii
        else:
            take = d < bv
            bi = jnp.where(take, ii, bi)
            bv = jnp.minimum(d, bv)
    m = jnp.min(bv, axis=1, keepdims=True)
    idx = jnp.min(jnp.where(bv == m, bi, N_EMB), axis=1, keepdims=True)
    idx_ref[...] = idx
    md_ref[...] = m


def _sc_gather(embed_p, idx2):
    n = idx2.shape[1]
    mesh = plsc.VectorSubcoreMesh(core_axis_name="core",
                                  subcore_axis_name="subcore")

    @pl.kernel(out_type=jax.ShapeDtypeStruct((n, DP), jnp.float32),
               mesh=mesh)
    def gather_kernel(emb_hbm, i_hbm, o_hbm):
        def body(i_vmem, o_vmem):
            pltpu.sync_copy(emb_hbm.at[i_vmem.at[0]], o_vmem)

        pltpu.emit_pipeline(
            body,
            grid=(n // GW,),
            in_specs=[pl.BlockSpec((1, GW), index_map=lambda i: (0, i))],
            out_specs=[pl.BlockSpec((GW, DP), index_map=lambda i: (i, 0))],
            core_axis_name=("core", "subcore"),
            dimension_semantics=(pltpu.PARALLEL,),
        )(i_hbm, o_hbm)

    return gather_kernel(embed_p, idx2)


def _tc_dist_argmin(flat_h, et2, i_norm_h, w_norm):
    nb = flat_h.shape[0] // BLK
    return pl.pallas_call(
        _dist_argmin_kernel,
        grid=(nb,),
        in_specs=[
            pl.BlockSpec((BLK, D), lambda i: (i, 0)),
            pl.BlockSpec((D, N_EMB), lambda i: (0, 0)),
            pl.BlockSpec((BLK, 1), lambda i: (i, 0)),
            pl.BlockSpec((1, N_EMB), lambda i: (0, 0)),
        ],
        out_specs=[
            pl.BlockSpec((BLK, 1), lambda i: (i, 0)),
            pl.BlockSpec((BLK, 1), lambda i: (i, 0)),
        ],
        out_shape=[
            jax.ShapeDtypeStruct((flat_h.shape[0], 1), jnp.int32),
            jax.ShapeDtypeStruct((flat_h.shape[0], 1), jnp.float32),
        ],
        compiler_params=pltpu.CompilerParams(
            dimension_semantics=("parallel",)),
    )(flat_h, et2, i_norm_h, w_norm)


def kernel(input, embed):
    dims = input.shape
    flat = input.reshape(-1, D)
    i_norm = jnp.sum(flat ** 2, axis=1).reshape(-1, 1)
    w_norm = jnp.sum(embed ** 2, axis=1).reshape(1, -1)
    et2 = embed.T * (-2.0)

    embed_p = jnp.pad(embed, ((0, 0), (0, DP - D)))

    idx_a, md_a = _tc_dist_argmin(flat[:HALF], et2, i_norm[:HALF], w_norm)
    embs_a = _sc_gather(embed_p, idx_a.reshape(1, HALF))
    idx_b, md_b = _tc_dist_argmin(flat[HALF:], et2, i_norm[HALF:], w_norm)
    embs_b = _sc_gather(embed_p, idx_b.reshape(1, HALF))

    embs = jnp.concatenate([embs_a, embs_b], axis=0)[:, :D]
    loss = (jnp.sum(md_a) + jnp.sum(md_b)) * (1.25 / (N_TOK * D))
    return embs.reshape(dims[0], dims[1], -1), loss

# --- scband reference (transcript-rebuilt; emitter-appended) ---
"""Pipeline reference for scband-quantization-layer-63556926046439 (READ-ONLY COPY).

The authoritative reference and input builder live on the scoring server;
editing this copy changes nothing except your own understanding.
"""

import jax, jax.numpy as jnp
import numpy as np

NUM_EMB = 8192
EMB_DIM = 64

def setup_inputs(seed: int = 0) -> dict:
    key = jax.random.key(seed)
    k1, k2 = jax.random.split(key)
    x = jax.random.normal(k1, (16, 576, 64), dtype=jnp.float32)
    embed = jax.random.uniform(k2, (NUM_EMB, EMB_DIM), dtype=jnp.float32, minval=-1.0/1024.0, maxval=1.0/1024.0)
    return {"input": x, "embed": embed}

def reference(input, embed):
    dims = input.shape
    flat = input.reshape(-1, dims[-1])
    # quantization_emb.forward
    i_norm = jnp.sum(flat ** 2, axis=1).reshape(-1, 1)
    w_norm = jnp.sum(embed ** 2, axis=1).reshape(1, -1)
    dist = i_norm + w_norm - 2.0 * jnp.matmul(flat, embed.T)
    idx = jnp.argmin(dist, axis=1)
    one_hot = jax.nn.one_hot(idx, embed.shape[0], dtype=jnp.float32)
    # layer forward: embeddings = one_hot @ embed (embed participates in autograd here)
    embeddings = jnp.matmul(one_hot, embed)
    l1 = jnp.mean((jax.lax.stop_gradient(flat) - embeddings) ** 2)
    l2 = 0.25 * jnp.mean((flat - jax.lax.stop_gradient(embeddings)) ** 2)
    embs = flat + jax.lax.stop_gradient(embeddings - flat)
    return embs.reshape(dims[0], dims[1], -1), l1 + l2

if __name__ == "__main__":
    import jax
    _d = setup_inputs()
    print(jax.jit(kernel)(*tuple(_d.values())))

</pallas_src>

<mosaic_0001>
#map = affine_map<(d0, d1) -> (0, 0)>
module attributes {stable_mosaic.version = 14 : i64} {
  func.func @gather_kernel(%arg0: i32, %arg1: i32, %arg2: memref<8192x128xf32, #tpu.memory_space<hbm>>, %arg3: memref<1x4608xi32, #tpu.memory_space<hbm>>, %arg4: memref<4608x128xf32, #tpu.memory_space<hbm>>) attributes {dimension_semantics = [#tpu.dimension_semantics<core_parallel>, #tpu.dimension_semantics<subcore_parallel>], iteration_bounds = array<i64: 2, 16>, scalar_prefetch = 0 : i64, scratch_operands = 0 : i64, tpu.core_type = #tpu.core_type<sc_vector_subcore>, window_params = [{transform_indices = #map}, {transform_indices = #map}, {transform_indices = #map}]} {
    %mul3A = arith.constant 1 : i32
    %mul3A_0 = arith.muli %arg1, %mul3A : i32
    %add3A = arith.constant 0 : i32
    %add3A_1 = arith.addi %add3A, %mul3A_0 : i32
    %mul3A_2 = arith.constant 16 : i32
    %mul3A_3 = arith.muli %arg0, %mul3A_2 : i32
    %add3A_4 = arith.addi %add3A_1, %mul3A_3 : i32
    %lt3A = arith.constant 4 : i32
    %lt3A_5 = arith.cmpi slt, %add3A_4, %lt3A : i32
    %jit3A = arith.constant 2 : i32
    %jit3A_6 = arith.constant 1 : i32
    %select_n3A = arith.select %lt3A_5, %jit3A, %jit3A_6 : i32
    %lt3A_7 = arith.constant 4 : i32
    %lt3A_8 = arith.cmpi slt, %add3A_4, %lt3A_7 : i32
    %mul3A_9 = arith.muli %add3A_4, %select_n3A : i32
    %mul3A_10 = arith.constant 1 : i32
    %mul3A_11 = arith.muli %add3A_4, %mul3A_10 : i32
    %add3A_12 = arith.constant 4 : i32
    %add3A_13 = arith.addi %mul3A_11, %add3A_12 : i32
    %select_n3A_14 = arith.select %lt3A_8, %mul3A_9, %add3A_13 : i32
    %mul3A_15 = arith.constant 1 : i32
    %mul3A_16 = arith.muli %mul3A_15, %select_n3A : i32
    "tpu.region"() ({
      %run_scoped3A = memref.alloca() : memref<2x1x128xi32, #tpu.memory_space<vmem>>
      %run_scoped3A_17 = tpu.sem_alloc : memref<2x!tpu.dma_semaphore, #tpu.memory_space<semaphore_mem>>
      %run_scoped3A_18 = memref.alloca() : memref<2x128x128xf32, #tpu.memory_space<vmem>>
      %run_scoped3A_19 = tpu.sem_alloc : memref<2x!tpu.dma_semaphore, #tpu.memory_space<semaphore_mem>>
      %gt3A = arith.constant 0 : i32
      %gt3A_20 = arith.cmpi sgt, %mul3A_16, %gt3A : i32
      %convert_element_type3A = arith.extui %gt3A_20 : i1 to i32
      %cond3A = arith.constant 0 : i32
      %cond3A_21 = arith.cmpi ne, %convert_element_type3A, %cond3A : i32
      scf.if %cond3A_21 {
        %mul3A_22 = arith.constant 1 : i32
        %mul3A_23 = arith.muli %mul3A_22, %select_n3A : i32
        %sub3A = arith.constant 1 : i32
        %sub3A_24 = arith.subi %mul3A_23, %sub3A : i32
        %eq3A = arith.constant 0 : i32
        %eq3A_25 = arith.cmpi eq, %sub3A_24, %eq3A : i32
        %add3A_26 = arith.constant 0 : i32
        %add3A_27 = arith.addi %add3A_26, %select_n3A_14 : i32
        %select_n3A_28 = arith.constant true
        %select_n3A_29 = arith.constant 0 : i32
        %select_n3A_30 = arith.constant -1 : i32
        %select_n3A_31 = arith.select %select_n3A_28, %select_n3A_30, %select_n3A_29 : i32
        %eq3A_32 = arith.constant -1 : i32
        %eq3A_33 = arith.cmpi eq, %select_n3A_31, %eq3A_32 : i32
        %sub3A_34 = arith.constant 1 : i32
        %sub3A_35 = arith.subi %select_n3A, %sub3A_34 : i32
        %select_n3A_36 = arith.select %eq3A_33, %sub3A_35, %select_n3A_31 : i32
        %add3A_37 = arith.addi %select_n3A_36, %select_n3A_14 : i32
        %select_n3A_38 = arith.constant true
        %select_n3A_39 = arith.constant 0 : i32
        %select_n3A_40 = arith.constant 1 : i32
        %select_n3A_41 = arith.select %select_n3A_38, %select_n3A_40, %select_n3A_39 : i32
        %eq3A_42 = arith.cmpi eq, %select_n3A_41, %select_n3A : i32
        %select_n3A_43 = arith.constant 0 : i32
        %select_n3A_44 = arith.select %eq3A_42, %select_n3A_43, %select_n3A_41 : i32
        %add3A_45 = arith.addi %select_n3A_44, %select_n3A_14 : i32
        %add3A_46 = arith.constant 1 : i32
        %add3A_47 = arith.addi %select_n3A_44, %add3A_46 : i32
        %select_n3A_48 = arith.constant true
        %select_n3A_49 = arith.select %select_n3A_48, %add3A_47, %select_n3A_44 : i32
        %eq3A_50 = arith.cmpi eq, %select_n3A_49, %select_n3A : i32
        %select_n3A_51 = arith.constant 0 : i32
        %select_n3A_52 = arith.select %eq3A_50, %select_n3A_51, %select_n3A_49 : i32
        %add3A_53 = arith.addi %select_n3A_52, %select_n3A_14 : i32
        "tpu.trace_start"() <{level = 10 : i32, message = "ep_initialize_0"}> : () -> ()
        %rem3A = arith.constant 0 : i32
        %rem3A_54 = arith.constant 2 : i32
        %rem3A_55 = arith.remui %rem3A, %rem3A_54 : i32
        %mul3A_56 = arith.constant 128 : i32
        %mul3A_57 = arith.muli %mul3A_56, %add3A_27 : i32
        %dma_start3A = arith.constant 0 : i32
        %dma_start3A_58 = arith.constant 0 : i32
        %dma_start3A_59 = tpu.memref_slice %run_scoped3A[%rem3A_55, %dma_start3A, %dma_start3A_58] : memref<2x1x128xi32, #tpu.memory_space<vmem>> -> memref<1x1x128xi32, #tpu.memory_space<vmem>>
        %dma_start3A_60 = tpu.memref_squeeze %dma_start3A_59 : memref<1x1x128xi32, #tpu.memory_space<vmem>> -> memref<1x128xi32, #tpu.memory_space<vmem>>
        %dma_start3A_61 = arith.constant 0 : i32
        %dma_start3A_62 = tpu.memref_slice %arg3[%dma_start3A_61, %mul3A_57] : memref<1x4608xi32, #tpu.memory_space<hbm>> -> memref<1x128xi32, #tpu.memory_space<hbm>>
        %dma_start3A_63 = tpu.memref_slice %run_scoped3A_17[%rem3A_55] : memref<2x!tpu.dma_semaphore, #tpu.memory_space<semaphore_mem>> -> memref<1x!tpu.dma_semaphore, #tpu.memory_space<semaphore_mem>>
        %dma_start3A_64 = tpu.memref_squeeze %dma_start3A_63 : memref<1x!tpu.dma_semaphore, #tpu.memory_space<semaphore_mem>> -> memref<!tpu.dma_semaphore, #tpu.memory_space<semaphore_mem>>
        %dma_start3A_65 = arith.constant 0 : i32
        %dma_start3A_66 = arith.constant 0 : i32
        %dma_start3A_67 = tpu.memref_slice %run_scoped3A[%rem3A_55, %dma_start3A_65, %dma_start3A_66] : memref<2x1x128xi32, #tpu.memory_space<vmem>> -> memref<1x1x128xi32, #tpu.memory_space<vmem>>
        %dma_start3A_68 = tpu.memref_squeeze %dma_start3A_67 : memref<1x1x128xi32, #tpu.memory_space<vmem>> -> memref<1x128xi32, #tpu.memory_space<vmem>>
        %dma_start3A_69 = arith.constant 0 : i32
        %dma_start3A_70 = tpu.memref_slice %arg3[%dma_start3A_69, %mul3A_57] : memref<1x4608xi32, #tpu.memory_space<hbm>> -> memref<1x128xi32, #tpu.memory_space<hbm>>
        tpu.enqueue_dma source(%dma_start3A_70 : memref<1x128xi32, #tpu.memory_space<hbm>>) target(%dma_start3A_68 : memref<1x128xi32, #tpu.memory_space<vmem>>) target_semaphore(%dma_start3A_64 : memref<!tpu.dma_semaphore, #tpu.memory_space<semaphore_mem>>)
        %add3A_71 = arith.constant 0 : i32
        %add3A_72 = arith.constant 1 : i32
        %add3A_73 = arith.addi %add3A_71, %add3A_72 : i32
        %select_n3A_74 = arith.constant true
        %select_n3A_75 = arith.constant 0 : i32
        %select_n3A_76 = arith.select %select_n3A_74, %add3A_73, %select_n3A_75 : i32
        %while3A = arith.constant 0 : i32
        %while3A_77 = arith.constant 0 : i32
        %while3A_78 = arith.constant 0 : i32
        %while3A_79 = arith.constant 0 : i32
        %while3A_80 = arith.constant 0 : i32
        "tpu.trace_stop"() : () -> ()
        %while3A_81 = arith.subi %mul3A_16, %while3A : i32
        %while3A_82 = arith.addi %while3A, %while3A_81 : i32
        %while3A_83 = arith.constant 1 : i32
        %while3A_84 = arith.divsi %while3A_81, %while3A_83 : i32
        %while3A_85 = arith.muli %while3A_84, %while3A_83 : i32
        %while3A_86 = arith.addi %while3A, %while3A_85 : i32
        %while3A_87 = arith.constant 1 : i32
        %while3A_88:5 = scf.for %while3A_142 = %while3A to %while3A_86 step %while3A_87 iter_args(%while3A_143 = %select_n3A_76, %while3A_144 = %while3A_77, %while3A_145 = %while3A_78, %while3A_146 = %while3A_79, %while3A_147 = %while3A_80) -> (i32, i32, i32, i32, i32)  : i32 {
          %mul3A_148 = arith.constant 1 : i32
          %mul3A_149 = arith.muli %mul3A_148, %select_n3A : i32
          %eq3A_150 = arith.constant 0 : i32
          %eq3A_151 = arith.cmpi eq, %while3A_142, %eq3A_150 : i32
          %sub3A_152 = arith.constant 1 : i32
          %sub3A_153 = arith.subi %mul3A_149, %sub3A_152 : i32
          %eq3A_154 = arith.cmpi eq, %while3A_142, %sub3A_153 : i32
          %add3A_155 = arith.addi %while3A_147, %select_n3A_14 : i32
          %sub3A_156 = arith.constant 1 : i32
          %sub3A_157 = arith.subi %while3A_147, %sub3A_156 : i32
          %select_n3A_158 = arith.constant true
          %select_n3A_159 = arith.select %select_n3A_158, %sub3A_157, %while3A_147 : i32
          %eq3A_160 = arith.constant -1 : i32
          %eq3A_161 = arith.cmpi eq, %select_n3A_159, %eq3A_160 : i32
          %sub3A_162 = arith.constant 1 : i32
          %sub3A_163 = arith.subi %select_n3A, %sub3A_162 : i32
          %select_n3A_164 = arith.select %eq3A_161, %sub3A_163, %select_n3A_159 : i32
          %add3A_165 = arith.addi %select_n3A_164, %select_n3A_14 : i32
          %add3A_166 = arith.constant 1 : i32
          %add3A_167 = arith.addi %while3A_147, %add3A_166 : i32
          %select_n3A_168 = arith.constant true
          %select_n3A_169 = arith.select %select_n3A_168, %add3A_167, %while3A_147 : i32
          %eq3A_170 = arith.cmpi eq, %select_n3A_169, %select_n3A : i32
          %select_n3A_171 = arith.constant 0 : i32
          %select_n3A_172 = arith.select %eq3A_170, %select_n3A_171, %select_n3A_169 : i32
          %add3A_173 = arith.addi %select_n3A_172, %select_n3A_14 : i32
          %add3A_174 = arith.constant 1 : i32
          %add3A_175 = arith.addi %select_n3A_172, %add3A_174 : i32
          %select_n3A_176 = arith.constant true
          %select_n3A_177 = arith.select %select_n3A_176, %add3A_175, %select_n3A_172 : i32
          %eq3A_178 = arith.cmpi eq, %select_n3A_177, %select_n3A : i32
          %select_n3A_179 = arith.constant 0 : i32
          %select_n3A_180 = arith.select %eq3A_178, %select_n3A_179, %select_n3A_177 : i32
          %add3A_181 = arith.addi %select_n3A_180, %select_n3A_14 : i32
          %ne3A = arith.cmpi ne, %add3A_155, %add3A_173 : i32
          %or3A = arith.constant false
          %or3A_182 = arith.ori %or3A, %ne3A : i1
          %sub3A_183 = arith.constant 2 : i32
          %sub3A_184 = arith.subi %mul3A_149, %sub3A_183 : i32
          %add3A_185 = arith.constant 1 : i32
          %add3A_186 = arith.addi %sub3A_184, %add3A_185 : i32
          %ge3A = arith.cmpi sge, %while3A_142, %add3A_186 : i32
          %not3A = arith.constant true
          %not3A_187 = arith.xori %ge3A, %not3A : i1
          %and3A = arith.andi %or3A_182, %not3A_187 : i1
          %convert_element_type3A_188 = arith.extui %and3A : i1 to i32
          %cond3A_189 = arith.constant 0 : i32
          %cond3A_190 = arith.cmpi ne, %convert_element_type3A_188, %cond3A_189 : i32
          scf.if %cond3A_190 {
            "tpu.trace_start"() <{level = 10 : i32, message = "ep_copy_in"}> : () -> ()
            %rem3A_294 = arith.constant 2 : i32
            %rem3A_295 = arith.remui %while3A_143, %rem3A_294 : i32
            %mul3A_296 = arith.constant 128 : i32
            %mul3A_297 = arith.muli %mul3A_296, %add3A_173 : i32
            %dma_start3A_298 = arith.constant 0 : i32
            %dma_start3A_299 = arith.constant 0 : i32
            %dma_start3A_300 = tpu.memref_slice %run_scoped3A[%rem3A_295, %dma_start3A_298, %dma_start3A_299] : memref<2x1x128xi32, #tpu.memory_space<vmem>> -> memref<1x1x128xi32, #tpu.memory_space<vmem>>
            %dma_start3A_301 = tpu.memref_squeeze %dma_start3A_300 : memref<1x1x128xi32, #tpu.memory_space<vmem>> -> memref<1x128xi32, #tpu.memory_space<vmem>>
            %dma_start3A_302 = arith.constant 0 : i32
            %dma_start3A_303 = tpu.memref_slice %arg3[%dma_start3A_302, %mul3A_297] : memref<1x4608xi32, #tpu.memory_space<hbm>> -> memref<1x128xi32, #tpu.memory_space<hbm>>
            %dma_start3A_304 = tpu.memref_slice %run_scoped3A_17[%rem3A_295] : memref<2x!tpu.dma_semaphore, #tpu.memory_space<semaphore_mem>> -> memref<1x!tpu.dma_semaphore, #tpu.memory_space<semaphore_mem>>
            %dma_start3A_305 = tpu.memref_squeeze %dma_start3A_304 : memref<1x!tpu.dma_semaphore, #tpu.memory_space<semaphore_mem>> -> memref<!tpu.dma_semaphore, #tpu.memory_space<semaphore_mem>>
            %dma_start3A_306 = arith.constant 0 : i32
            %dma_start3A_307 = arith.constant 0 : i32
            %dma_start3A_308 = tpu.memref_slice %run_scoped3A[%rem3A_295, %dma_start3A_306, %dma_start3A_307] : memref<2x1x128xi32, #tpu.memory_space<vmem>> -> memref<1x1x128xi32, #tpu.memory_space<vmem>>
            %dma_start3A_309 = tpu.memref_squeeze %dma_start3A_308 : memref<1x1x128xi32, #tpu.memory_space<vmem>> -> memref<1x128xi32, #tpu.memory_space<vmem>>
            %dma_start3A_310 = arith.constant 0 : i32
            %dma_start3A_311 = tpu.memref_slice %arg3[%dma_start3A_310, %mul3A_297] : memref<1x4608xi32, #tpu.memory_space<hbm>> -> memref<1x128xi32, #tpu.memory_space<hbm>>
            tpu.enqueue_dma source(%dma_start3A_311 : memref<1x128xi32, #tpu.memory_space<hbm>>) target(%dma_start3A_309 : memref<1x128xi32, #tpu.memory_space<vmem>>) target_semaphore(%dma_start3A_305 : memref<!tpu.dma_semaphore, #tpu.memory_space<semaphore_mem>>)
            "tpu.trace_stop"() : () -> ()
          } else {
          }
          %and3A_191 = arith.constant true
          %and3A_192 = arith.andi %and3A, %and3A_191 : i1
          %add3A_193 = arith.constant 1 : i32
          %add3A_194 = arith.addi %while3A_143, %add3A_193 : i32
          %select_n3A_195 = arith.select %and3A_192, %add3A_194, %while3A_143 : i32
          %ne3A_196 = arith.cmpi ne, %add3A_155, %add3A_173 : i32
          %or3A_197 = arith.constant false
          %or3A_198 = arith.ori %or3A_197, %ne3A_196 : i1
          %or3A_199 = arith.constant false
          %or3A_200 = arith.ori %or3A_198, %or3A_199 : i1
          %sub3A_201 = arith.constant 2 : i32
          %sub3A_202 = arith.subi %mul3A_149, %sub3A_201 : i32
          %add3A_203 = arith.constant 1 : i32
          %add3A_204 = arith.addi %sub3A_202, %add3A_203 : i32
          %ge3A_205 = arith.cmpi sge, %while3A_142, %add3A_204 : i32
          %not3A_206 = arith.constant true
          %not3A_207 = arith.xori %ge3A_205, %not3A_206 : i1
          %and3A_208 = arith.andi %or3A_200, %not3A_207 : i1
          %ne3A_209 = arith.cmpi ne, %add3A_155, %add3A_165 : i32
          %or3A_210 = arith.constant false
          %or3A_211 = arith.ori %or3A_210, %ne3A_209 : i1
          %or3A_212 = arith.ori %or3A_211, %eq3A_151 : i1
          %convert_element_type3A_213 = arith.extui %or3A_212 : i1 to i32
          %cond3A_214 = arith.constant 0 : i32
          %cond3A_215 = arith.cmpi ne, %convert_element_type3A_213, %cond3A_214 : i32
          scf.if %cond3A_215 {
            "tpu.trace_start"() <{level = 10 : i32, message = "ep_wait_in"}> : () -> ()
            %mul3A_294 = arith.constant 128 : i32
            %mul3A_295 = arith.muli %mul3A_294, %add3A_155 : i32
            %rem3A_296 = arith.constant 2 : i32
            %rem3A_297 = arith.remui %while3A_144, %rem3A_296 : i32
            %dma_wait3A = arith.constant 0 : i32
            %dma_wait3A_298 = arith.constant 0 : i32
            %dma_wait3A_299 = tpu.memref_slice %run_scoped3A[%rem3A_297, %dma_wait3A, %dma_wait3A_298] : memref<2x1x128xi32, #tpu.memory_space<vmem>> -> memref<1x1x128xi32, #tpu.memory_space<vmem>>
            %dma_wait3A_300 = tpu.memref_squeeze %dma_wait3A_299 : memref<1x1x128xi32, #tpu.memory_space<vmem>> -> memref<1x128xi32, #tpu.memory_space<vmem>>
            %dma_wait3A_301 = arith.constant 0 : i32
            %dma_wait3A_302 = tpu.memref_slice %arg3[%dma_wait3A_301, %mul3A_295] : memref<1x4608xi32, #tpu.memory_space<hbm>> -> memref<1x128xi32, #tpu.memory_space<hbm>>
            %dma_wait3A_303 = tpu.memref_slice %run_scoped3A_17[%rem3A_297] : memref<2x!tpu.dma_semaphore, #tpu.memory_space<semaphore_mem>> -> memref<1x!tpu.dma_semaphore, #tpu.memory_space<semaphore_mem>>
            %dma_wait3A_304 = tpu.memref_squeeze %dma_wait3A_303 : memref<1x!tpu.dma_semaphore, #tpu.memory_space<semaphore_mem>> -> memref<!tpu.dma_semaphore, #tpu.memory_space<semaphore_mem>>
            %dma_wait3A_305 = arith.constant 0 : i32
            %dma_wait3A_306 = arith.constant 0 : i32
            %dma_wait3A_307 = tpu.memref_slice %run_scoped3A[%rem3A_297, %dma_wait3A_305, %dma_wait3A_306] : memref<2x1x128xi32, #tpu.memory_space<vmem>> -> memref<1x1x128xi32, #tpu.memory_space<vmem>>
            %dma_wait3A_308 = tpu.memref_squeeze %dma_wait3A_307 : memref<1x1x128xi32, #tpu.memory_space<vmem>> -> memref<1x128xi32, #tpu.memory_space<vmem>>
            %dma_wait3A_309 = arith.constant 0 : i32
            %dma_wait3A_310 = tpu.memref_slice %arg3[%dma_wait3A_309, %mul3A_295] : memref<1x4608xi32, #tpu.memory_space<hbm>> -> memref<1x128xi32, #tpu.memory_space<hbm>>
            tpu.wait_dma2 semaphore(%dma_wait3A_304 : memref<!tpu.dma_semaphore, #tpu.memory_space<semaphore_mem>>) src(%dma_wait3A_310 : memref<1x128xi32, #tpu.memory_space<hbm>>) dst(%dma_wait3A_308 : memref<1x128xi32, #tpu.memory_space<vmem>>)
            "tpu.trace_stop"() : () -> ()
          } else {
          }
          %ne3A_216 = arith.cmpi ne, %add3A_155, %add3A_165 : i32
          %or3A_217 = arith.constant false
          %or3A_218 = arith.ori %or3A_217, %ne3A_216 : i1
          %or3A_219 = arith.constant false
          %or3A_220 = arith.ori %or3A_218, %or3A_219 : i1
          %or3A_221 = arith.ori %or3A_220, %eq3A_151 : i1
          %convert_element_type3A_222 = arith.extui %or3A_221 : i1 to i32
          %cond3A_223 = arith.constant 0 : i32
          %cond3A_224 = arith.cmpi ne, %convert_element_type3A_222, %cond3A_223 : i32
          scf.if %cond3A_224 {
          } else {
          }
          %rem3A_225 = arith.constant 2 : i32
          %rem3A_226 = arith.remui %while3A_144, %rem3A_225 : i32
          %rem3A_227 = arith.constant 2 : i32
          %rem3A_228 = arith.remui %while3A_145, %rem3A_227 : i32
          %run_scoped3A_229 = arith.constant 0 : i32
          "tpu.trace_start"() <{level = 10 : i32, message = "ep_run_kernel"}> : () -> ()
          "tpu.region"() ({
            %run_scoped3A_294 = tpu.sem_alloc : memref<!tpu.dma_semaphore, #tpu.memory_space<semaphore_mem>>
            %dma_start3A_295 = arith.constant 0 : i32
            %dma_start3A_296 = arith.constant 0 : i32
            %dma_start3A_297 = tpu.memref_slice %run_scoped3A_18[%rem3A_228, %dma_start3A_295, %dma_start3A_296] : memref<2x128x128xf32, #tpu.memory_space<vmem>> -> memref<1x128x128xf32, #tpu.memory_space<vmem>>
            %dma_start3A_298 = tpu.memref_squeeze %dma_start3A_297 : memref<1x128x128xf32, #tpu.memory_space<vmem>> -> memref<128x128xf32, #tpu.memory_space<vmem>>
            %dma_start3A_299 = arith.constant 0 : i32
            %dma_start3A_300 = arith.constant 0 : i32
            %dma_start3A_301 = tpu.memref_slice %run_scoped3A[%rem3A_226, %dma_start3A_299, %dma_start3A_300] : memref<2x1x128xi32, #tpu.memory_space<vmem>> -> memref<1x1x128xi32, #tpu.memory_space<vmem>>
            %dma_start3A_302 = tpu.memref_squeeze %dma_start3A_301 : memref<1x1x128xi32, #tpu.memory_space<vmem>> -> memref<1x128xi32, #tpu.memory_space<vmem>>
            %dma_start3A_303 = arith.constant 0 : i32
            %dma_start3A_304 = tpu.memref_slice %dma_start3A_302[%run_scoped3A_229, %dma_start3A_303] : memref<1x128xi32, #tpu.memory_space<vmem>> -> memref<1x128xi32, #tpu.memory_space<vmem>>
            %dma_start3A_305 = tpu.memref_squeeze %dma_start3A_304 : memref<1x128xi32, #tpu.memory_space<vmem>> -> memref<128xi32, #tpu.memory_space<vmem>>
            %dma_start3A_306 = arith.constant 0 : i32
            %dma_start3A_307 = arith.constant 0 : i32
            %dma_start3A_308 = tpu.memref_slice %arg2[%dma_start3A_306, %dma_start3A_307] : memref<8192x128xf32, #tpu.memory_space<hbm>> -> memref<8192x128xf32, #tpu.memory_space<hbm>>
            tpu.enqueue_indirect_dma source(%dma_start3A_308 : memref<8192x128xf32, #tpu.memory_space<hbm>>) target(%dma_start3A_298 : memref<128x128xf32, #tpu.memory_space<vmem>>) offsets(%dma_start3A_305 : memref<128xi32, #tpu.memory_space<vmem>>) semaphore(%run_scoped3A_294 : memref<!tpu.dma_semaphore, #tpu.memory_space<semaphore_mem>>)
            %dma_wait3A = arith.constant 0 : i32
            %dma_wait3A_309 = arith.constant 0 : i32
            %dma_wait3A_310 = tpu.memref_slice %run_scoped3A_18[%rem3A_228, %dma_wait3A, %dma_wait3A_309] : memref<2x128x128xf32, #tpu.memory_space<vmem>> -> memref<1x128x128xf32, #tpu.memory_space<vmem>>
            %dma_wait3A_311 = tpu.memref_squeeze %dma_wait3A_310 : memref<1x128x128xf32, #tpu.memory_space<vmem>> -> memref<128x128xf32, #tpu.memory_space<vmem>>
            %dma_wait3A_312 = arith.constant 0 : i32
            %dma_wait3A_313 = arith.constant 0 : i32
            %dma_wait3A_314 = tpu.memref_slice %run_scoped3A[%rem3A_226, %dma_wait3A_312, %dma_wait3A_313] : memref<2x1x128xi32, #tpu.memory_space<vmem>> -> memref<1x1x128xi32, #tpu.memory_space<vmem>>
            %dma_wait3A_315 = tpu.memref_squeeze %dma_wait3A_314 : memref<1x1x128xi32, #tpu.memory_space<vmem>> -> memref<1x128xi32, #tpu.memory_space<vmem>>
            %dma_wait3A_316 = arith.constant 0 : i32
            %dma_wait3A_317 = tpu.memref_slice %dma_wait3A_315[%run_scoped3A_229, %dma_wait3A_316] : memref<1x128xi32, #tpu.memory_space<vmem>> -> memref<1x128xi32, #tpu.memory_space<vmem>>
            %dma_wait3A_318 = tpu.memref_squeeze %dma_wait3A_317 : memref<1x128xi32, #tpu.memory_space<vmem>> -> memref<128xi32, #tpu.memory_space<vmem>>
            %dma_wait3A_319 = arith.constant 0 : i32
            %dma_wait3A_320 = arith.constant 0 : i32
            %dma_wait3A_321 = tpu.memref_slice %arg2[%dma_wait3A_319, %dma_wait3A_320] : memref<8192x128xf32, #tpu.memory_space<hbm>> -> memref<8192x128xf32, #tpu.memory_space<hbm>>
            tpu.wait_indirect_dma semaphore(%run_scoped3A_294 : memref<!tpu.dma_semaphore, #tpu.memory_space<semaphore_mem>>) src(%dma_wait3A_321 : memref<8192x128xf32, #tpu.memory_space<hbm>>) dst(%dma_wait3A_311 : memref<128x128xf32, #tpu.memory_space<vmem>>)
            tpu.yield
          }) : () -> ()
          "tpu.trace_stop"() : () -> ()
          %ne3A_230 = arith.cmpi ne, %add3A_155, %add3A_173 : i32
          %or3A_231 = arith.constant false
          %or3A_232 = arith.ori %or3A_231, %ne3A_230 : i1
          %or3A_233 = arith.ori %or3A_232, %eq3A_154 : i1
          %convert_element_type3A_234 = arith.extui %or3A_233 : i1 to i32
          %cond3A_235 = arith.constant 0 : i32
          %cond3A_236 = arith.cmpi ne, %convert_element_type3A_234, %cond3A_235 : i32
          scf.if %cond3A_236 {
          } else {
          }
          %and3A_237 = arith.constant false
          %and3A_238 = arith.andi %or3A_233, %and3A_237 : i1
          %ne3A_239 = arith.cmpi ne, %add3A_155, %add3A_173 : i32
          %or3A_240 = arith.constant false
          %or3A_241 = arith.ori %or3A_240, %ne3A_239 : i1
          %or3A_242 = arith.constant false
          %or3A_243 = arith.ori %or3A_241, %or3A_242 : i1
          %or3A_244 = arith.ori %or3A_243, %eq3A_154 : i1
          %convert_element_type3A_245 = arith.extui %or3A_244 : i1 to i32
          %cond3A_246 = arith.constant 0 : i32
          %cond3A_247 = arith.cmpi ne, %convert_element_type3A_245, %cond3A_246 : i32
          scf.if %cond3A_247 {
            "tpu.trace_start"() <{level = 10 : i32, message = "ep_copy_out"}> : () -> ()
            %rem3A_294 = arith.constant 2 : i32
            %rem3A_295 = arith.remui %while3A_145, %rem3A_294 : i32
            %mul3A_296 = arith.constant 128 : i32
            %mul3A_297 = arith.muli %mul3A_296, %add3A_155 : i32
            %dma_start3A_298 = arith.constant 0 : i32
            %dma_start3A_299 = arith.constant 0 : i32
            %dma_start3A_300 = tpu.memref_slice %run_scoped3A_18[%rem3A_295, %dma_start3A_298, %dma_start3A_299] : memref<2x128x128xf32, #tpu.memory_space<vmem>> -> memref<1x128x128xf32, #tpu.memory_space<vmem>>
            %dma_start3A_301 = tpu.memref_squeeze %dma_start3A_300 : memref<1x128x128xf32, #tpu.memory_space<vmem>> -> memref<128x128xf32, #tpu.memory_space<vmem>>
            %dma_start3A_302 = arith.constant 0 : i32
            %dma_start3A_303 = tpu.memref_slice %arg4[%mul3A_297, %dma_start3A_302] : memref<4608x128xf32, #tpu.memory_space<hbm>> -> memref<128x128xf32, #tpu.memory_space<hbm>>
            %dma_start3A_304 = tpu.memref_slice %run_scoped3A_19[%rem3A_295] : memref<2x!tpu.dma_semaphore, #tpu.memory_space<semaphore_mem>> -> memref<1x!tpu.dma_semaphore, #tpu.memory_space<semaphore_mem>>
            %dma_start3A_305 = tpu.memref_squeeze %dma_start3A_304 : memref<1x!tpu.dma_semaphore, #tpu.memory_space<semaphore_mem>> -> memref<!tpu.dma_semaphore, #tpu.memory_space<semaphore_mem>>
            %dma_start3A_306 = arith.constant 0 : i32
            %dma_start3A_307 = tpu.memref_slice %arg4[%mul3A_297, %dma_start3A_306] : memref<4608x128xf32, #tpu.memory_space<hbm>> -> memref<128x128xf32, #tpu.memory_space<hbm>>
            %dma_start3A_308 = arith.constant 0 : i32
            %dma_start3A_309 = arith.constant 0 : i32
            %dma_start3A_310 = tpu.memref_slice %run_scoped3A_18[%rem3A_295, %dma_start3A_308, %dma_start3A_309] : memref<2x128x128xf32, #tpu.memory_space<vmem>> -> memref<1x128x128xf32, #tpu.memory_space<vmem>>
            %dma_start3A_311 = tpu.memref_squeeze %dma_start3A_310 : memref<1x128x128xf32, #tpu.memory_space<vmem>> -> memref<128x128xf32, #tpu.memory_space<vmem>>
            tpu.enqueue_dma source(%dma_start3A_311 : memref<128x128xf32, #tpu.memory_space<vmem>>) target(%dma_start3A_307 : memref<128x128xf32, #tpu.memory_space<hbm>>) target_semaphore(%dma_start3A_305 : memref<!tpu.dma_semaphore, #tpu.memory_space<semaphore_mem>>)
            "tpu.trace_stop"() : () -> ()
          } else {
          }
          %and3A_248 = arith.constant true
          %and3A_249 = arith.andi %or3A_244, %and3A_248 : i1
          %add3A_250 = arith.constant 1 : i32
          %add3A_251 = arith.addi %while3A_145, %add3A_250 : i32
          %select_n3A_252 = arith.select %and3A_249, %add3A_251, %while3A_145 : i32
          %ne3A_253 = arith.cmpi ne, %add3A_155, %add3A_165 : i32
          %or3A_254 = arith.constant false
          %or3A_255 = arith.ori %or3A_254, %ne3A_253 : i1
          %not3A_256 = arith.constant true
          %not3A_257 = arith.xori %eq3A_151, %not3A_256 : i1
          %and3A_258 = arith.andi %or3A_255, %not3A_257 : i1
          %convert_element_type3A_259 = arith.extui %and3A_258 : i1 to i32
          %cond3A_260 = arith.constant 0 : i32
          %cond3A_261 = arith.cmpi ne, %convert_element_type3A_259, %cond3A_260 : i32
          scf.if %cond3A_261 {
          } else {
          }
          %and3A_262 = arith.constant false
          %and3A_263 = arith.andi %and3A_258, %and3A_262 : i1
          %ne3A_264 = arith.cmpi ne, %add3A_155, %add3A_165 : i32
          %or3A_265 = arith.constant false
          %or3A_266 = arith.ori %or3A_265, %ne3A_264 : i1
          %or3A_267 = arith.constant false
          %or3A_268 = arith.ori %or3A_266, %or3A_267 : i1
          %not3A_269 = arith.constant true
          %not3A_270 = arith.xori %eq3A_151, %not3A_269 : i1
          %and3A_271 = arith.andi %or3A_268, %not3A_270 : i1
          %convert_element_type3A_272 = arith.extui %and3A_271 : i1 to i32
          %cond3A_273 = arith.constant 0 : i32
          %cond3A_274 = arith.cmpi ne, %convert_element_type3A_272, %cond3A_273 : i32
          scf.if %cond3A_274 {
            "tpu.trace_start"() <{level = 10 : i32, message = "ep_wait_out"}> : () -> ()
            %rem3A_294 = arith.constant 2 : i32
            %rem3A_295 = arith.remui %while3A_146, %rem3A_294 : i32
            %mul3A_296 = arith.constant 128 : i32
            %mul3A_297 = arith.muli %mul3A_296, %add3A_165 : i32
            %dma_wait3A = arith.constant 0 : i32
            %dma_wait3A_298 = arith.constant 0 : i32
            %dma_wait3A_299 = tpu.memref_slice %run_scoped3A_18[%rem3A_295, %dma_wait3A, %dma_wait3A_298] : memref<2x128x128xf32, #tpu.memory_space<vmem>> -> memref<1x128x128xf32, #tpu.memory_space<vmem>>
            %dma_wait3A_300 = tpu.memref_squeeze %dma_wait3A_299 : memref<1x128x128xf32, #tpu.memory_space<vmem>> -> memref<128x128xf32, #tpu.memory_space<vmem>>
            %dma_wait3A_301 = arith.constant 0 : i32
            %dma_wait3A_302 = tpu.memref_slice %arg4[%mul3A_297, %dma_wait3A_301] : memref<4608x128xf32, #tpu.memory_space<hbm>> -> memref<128x128xf32, #tpu.memory_space<hbm>>
            %dma_wait3A_303 = tpu.memref_slice %run_scoped3A_19[%rem3A_295] : memref<2x!tpu.dma_semaphore, #tpu.memory_space<semaphore_mem>> -> memref<1x!tpu.dma_semaphore, #tpu.memory_space<semaphore_mem>>
            %dma_wait3A_304 = tpu.memref_squeeze %dma_wait3A_303 : memref<1x!tpu.dma_semaphore, #tpu.memory_space<semaphore_mem>> -> memref<!tpu.dma_semaphore, #tpu.memory_space<semaphore_mem>>
            %dma_wait3A_305 = arith.constant 0 : i32
            %dma_wait3A_306 = tpu.memref_slice %arg4[%mul3A_297, %dma_wait3A_305] : memref<4608x128xf32, #tpu.memory_space<hbm>> -> memref<128x128xf32, #tpu.memory_space<hbm>>
            %dma_wait3A_307 = arith.constant 0 : i32
            %dma_wait3A_308 = arith.constant 0 : i32
            %dma_wait3A_309 = tpu.memref_slice %run_scoped3A_18[%rem3A_295, %dma_wait3A_307, %dma_wait3A_308] : memref<2x128x128xf32, #tpu.memory_space<vmem>> -> memref<1x128x128xf32, #tpu.memory_space<vmem>>
            %dma_wait3A_310 = tpu.memref_squeeze %dma_wait3A_309 : memref<1x128x128xf32, #tpu.memory_space<vmem>> -> memref<128x128xf32, #tpu.memory_space<vmem>>
            tpu.wait_dma2 semaphore(%dma_wait3A_304 : memref<!tpu.dma_semaphore, #tpu.memory_space<semaphore_mem>>) src(%dma_wait3A_310 : memref<128x128xf32, #tpu.memory_space<vmem>>) dst(%dma_wait3A_306 : memref<128x128xf32, #tpu.memory_space<hbm>>)
            "tpu.trace_stop"() : () -> ()
          } else {
          }
          %and3A_275 = arith.constant true
          %and3A_276 = arith.andi %and3A_271, %and3A_275 : i1
          %add3A_277 = arith.constant 1 : i32
          %add3A_278 = arith.addi %while3A_146, %add3A_277 : i32
          %select_n3A_279 = arith.select %and3A_276, %add3A_278, %while3A_146 : i32
          %ne3A_280 = arith.cmpi ne, %add3A_155, %add3A_173 : i32
          %or3A_281 = arith.constant false
          %or3A_282 = arith.ori %or3A_281, %ne3A_280 : i1
          %or3A_283 = arith.ori %or3A_282, %eq3A_154 : i1
          %add3A_284 = arith.constant 1 : i32
          %add3A_285 = arith.addi %while3A_144, %add3A_284 : i32
          %select_n3A_286 = arith.select %or3A_283, %add3A_285, %while3A_144 : i32
          %add3A_287 = arith.constant 1 : i32
          %add3A_288 = arith.addi %while3A_147, %add3A_287 : i32
          %select_n3A_289 = arith.constant true
          %select_n3A_290 = arith.select %select_n3A_289, %add3A_288, %while3A_147 : i32
          %eq3A_291 = arith.cmpi eq, %select_n3A_290, %select_n3A : i32
          %select_n3A_292 = arith.constant 0 : i32
          %select_n3A_293 = arith.select %eq3A_291, %select_n3A_292, %select_n3A_290 : i32
          scf.yield %select_n3A_195, %select_n3A_286, %select_n3A_252, %select_n3A_279, %select_n3A_293 : i32, i32, i32, i32, i32
        }
        %while3A_89 = arith.constant 1 : i32
        %while3A_90:5 = scf.for %while3A_142 = %while3A_86 to %while3A_82 step %while3A_89 iter_args(%while3A_143 = %while3A_88#0, %while3A_144 = %while3A_88#1, %while3A_145 = %while3A_88#2, %while3A_146 = %while3A_88#3, %while3A_147 = %while3A_88#4) -> (i32, i32, i32, i32, i32)  : i32 {
          %mul3A_148 = arith.constant 1 : i32
          %mul3A_149 = arith.muli %mul3A_148, %select_n3A : i32
          %eq3A_150 = arith.constant 0 : i32
          %eq3A_151 = arith.cmpi eq, %while3A_142, %eq3A_150 : i32
          %sub3A_152 = arith.constant 1 : i32
          %sub3A_153 = arith.subi %mul3A_149, %sub3A_152 : i32
          %eq3A_154 = arith.cmpi eq, %while3A_142, %sub3A_153 : i32
          %add3A_155 = arith.addi %while3A_147, %select_n3A_14 : i32
          %sub3A_156 = arith.constant 1 : i32
          %sub3A_157 = arith.subi %while3A_147, %sub3A_156 : i32
          %select_n3A_158 = arith.constant true
          %select_n3A_159 = arith.select %select_n3A_158, %sub3A_157, %while3A_147 : i32
          %eq3A_160 = arith.constant -1 : i32
          %eq3A_161 = arith.cmpi eq, %select_n3A_159, %eq3A_160 : i32
          %sub3A_162 = arith.constant 1 : i32
          %sub3A_163 = arith.subi %select_n3A, %sub3A_162 : i32
          %select_n3A_164 = arith.select %eq3A_161, %sub3A_163, %select_n3A_159 : i32
          %add3A_165 = arith.addi %select_n3A_164, %select_n3A_14 : i32
          %add3A_166 = arith.constant 1 : i32
          %add3A_167 = arith.addi %while3A_147, %add3A_166 : i32
          %select_n3A_168 = arith.constant true
          %select_n3A_169 = arith.select %select_n3A_168, %add3A_167, %while3A_147 : i32
          %eq3A_170 = arith.cmpi eq, %select_n3A_169, %select_n3A : i32
          %select_n3A_171 = arith.constant 0 : i32
          %select_n3A_172 = arith.select %eq3A_170, %select_n3A_171, %select_n3A_169 : i32
          %add3A_173 = arith.addi %select_n3A_172, %select_n3A_14 : i32
          %add3A_174 = arith.constant 1 : i32
          %add3A_175 = arith.addi %select_n3A_172, %add3A_174 : i32
          %select_n3A_176 = arith.constant true
          %select_n3A_177 = arith.select %select_n3A_176, %add3A_175, %select_n3A_172 : i32
          %eq3A_178 = arith.cmpi eq, %select_n3A_177, %select_n3A : i32
          %select_n3A_179 = arith.constant 0 : i32
          %select_n3A_180 = arith.select %eq3A_178, %select_n3A_179, %select_n3A_177 : i32
          %add3A_181 = arith.addi %select_n3A_180, %select_n3A_14 : i32
          %ne3A = arith.cmpi ne, %add3A_155, %add3A_173 : i32
          %or3A = arith.constant false
          %or3A_182 = arith.ori %or3A, %ne3A : i1
          %sub3A_183 = arith.constant 2 : i32
          %sub3A_184 = arith.subi %mul3A_149, %sub3A_183 : i32
          %add3A_185 = arith.constant 1 : i32
          %add3A_186 = arith.addi %sub3A_184, %add3A_185 : i32
          %ge3A = arith.cmpi sge, %while3A_142, %add3A_186 : i32
          %not3A = arith.constant true
          %not3A_187 = arith.xori %ge3A, %not3A : i1
          %and3A = arith.andi %or3A_182, %not3A_187 : i1
          %convert_element_type3A_188 = arith.extui %and3A : i1 to i32
          %cond3A_189 = arith.constant 0 : i32
          %cond3A_190 = arith.cmpi ne, %convert_element_type3A_188, %cond3A_189 : i32
          scf.if %cond3A_190 {
            "tpu.trace_start"() <{level = 10 : i32, message = "ep_copy_in"}> : () -> ()
            %rem3A_294 = arith.constant 2 : i32
            %rem3A_295 = arith.remui %while3A_143, %rem3A_294 : i32
            %mul3A_296 = arith.constant 128 : i32
            %mul3A_297 = arith.muli %mul3A_296, %add3A_173 : i32
            %dma_start3A_298 = arith.constant 0 : i32
            %dma_start3A_299 = arith.constant 0 : i32
            %dma_start3A_300 = tpu.memref_slice %run_scoped3A[%rem3A_295, %dma_start3A_298, %dma_start3A_299] : memref<2x1x128xi32, #tpu.memory_space<vmem>> -> memref<1x1x128xi32, #tpu.memory_space<vmem>>
            %dma_start3A_301 = tpu.memref_squeeze %dma_start3A_300 : memref<1x1x128xi32, #tpu.memory_space<vmem>> -> memref<1x128xi32, #tpu.memory_space<vmem>>
            %dma_start3A_302 = arith.constant 0 : i32
            %dma_start3A_303 = tpu.memref_slice %arg3[%dma_start3A_302, %mul3A_297] : memref<1x4608xi32, #tpu.memory_space<hbm>> -> memref<1x128xi32, #tpu.memory_space<hbm>>
            %dma_start3A_304 = tpu.memref_slice %run_scoped3A_17[%rem3A_295] : memref<2x!tpu.dma_semaphore, #tpu.memory_space<semaphore_mem>> -> memref<1x!tpu.dma_semaphore, #tpu.memory_space<semaphore_mem>>
            %dma_start3A_305 = tpu.memref_squeeze %dma_start3A_304 : memref<1x!tpu.dma_semaphore, #tpu.memory_space<semaphore_mem>> -> memref<!tpu.dma_semaphore, #tpu.memory_space<semaphore_mem>>
            %dma_start3A_306 = arith.constant 0 : i32
            %dma_start3A_307 = arith.constant 0 : i32
            %dma_start3A_308 = tpu.memref_slice %run_scoped3A[%rem3A_295, %dma_start3A_306, %dma_start3A_307] : memref<2x1x128xi32, #tpu.memory_space<vmem>> -> memref<1x1x128xi32, #tpu.memory_space<vmem>>
            %dma_start3A_309 = tpu.memref_squeeze %dma_start3A_308 : memref<1x1x128xi32, #tpu.memory_space<vmem>> -> memref<1x128xi32, #tpu.memory_space<vmem>>
            %dma_start3A_310 = arith.constant 0 : i32
            %dma_start3A_311 = tpu.memref_slice %arg3[%dma_start3A_310, %mul3A_297] : memref<1x4608xi32, #tpu.memory_space<hbm>> -> memref<1x128xi32, #tpu.memory_space<hbm>>
            tpu.enqueue_dma source(%dma_start3A_311 : memref<1x128xi32, #tpu.memory_space<hbm>>) target(%dma_start3A_309 : memref<1x128xi32, #tpu.memory_space<vmem>>) target_semaphore(%dma_start3A_305 : memref<!tpu.dma_semaphore, #tpu.memory_space<semaphore_mem>>)
            "tpu.trace_stop"() : () -> ()
          } else {
          }
          %and3A_191 = arith.constant true
          %and3A_192 = arith.andi %and3A, %and3A_191 : i1
          %add3A_193 = arith.constant 1 : i32
          %add3A_194 = arith.addi %while3A_143, %add3A_193 : i32
          %select_n3A_195 = arith.select %and3A_192, %add3A_194, %while3A_143 : i32
          %ne3A_196 = arith.cmpi ne, %add3A_155, %add3A_173 : i32
          %or3A_197 = arith.constant false
          %or3A_198 = arith.ori %or3A_197, %ne3A_196 : i1
          %or3A_199 = arith.constant false
          %or3A_200 = arith.ori %or3A_198, %or3A_199 : i1
          %sub3A_201 = arith.constant 2 : i32
          %sub3A_202 = arith.subi %mul3A_149, %sub3A_201 : i32
          %add3A_203 = arith.constant 1 : i32
          %add3A_204 = arith.addi %sub3A_202, %add3A_203 : i32
          %ge3A_205 = arith.cmpi sge, %while3A_142, %add3A_204 : i32
          %not3A_206 = arith.constant true
          %not3A_207 = arith.xori %ge3A_205, %not3A_206 : i1
          %and3A_208 = arith.andi %or3A_200, %not3A_207 : i1
          %ne3A_209 = arith.cmpi ne, %add3A_155, %add3A_165 : i32
          %or3A_210 = arith.constant false
          %or3A_211 = arith.ori %or3A_210, %ne3A_209 : i1
          %or3A_212 = arith.ori %or3A_211, %eq3A_151 : i1
          %convert_element_type3A_213 = arith.extui %or3A_212 : i1 to i32
          %cond3A_214 = arith.constant 0 : i32
          %cond3A_215 = arith.cmpi ne, %convert_element_type3A_213, %cond3A_214 : i32
          scf.if %cond3A_215 {
            "tpu.trace_start"() <{level = 10 : i32, message = "ep_wait_in"}> : () -> ()
            %mul3A_294 = arith.constant 128 : i32
            %mul3A_295 = arith.muli %mul3A_294, %add3A_155 : i32
            %rem3A_296 = arith.constant 2 : i32
            %rem3A_297 = arith.remui %while3A_144, %rem3A_296 : i32
            %dma_wait3A = arith.constant 0 : i32
            %dma_wait3A_298 = arith.constant 0 : i32
            %dma_wait3A_299 = tpu.memref_slice %run_scoped3A[%rem3A_297, %dma_wait3A, %dma_wait3A_298] : memref<2x1x128xi32, #tpu.memory_space<vmem>> -> memref<1x1x128xi32, #tpu.memory_space<vmem>>
            %dma_wait3A_300 = tpu.memref_squeeze %dma_wait3A_299 : memref<1x1x128xi32, #tpu.memory_space<vmem>> -> memref<1x128xi32, #tpu.memory_space<vmem>>
            %dma_wait3A_301 = arith.constant 0 : i32
            %dma_wait3A_302 = tpu.memref_slice %arg3[%dma_wait3A_301, %mul3A_295] : memref<1x4608xi32, #tpu.memory_space<hbm>> -> memref<1x128xi32, #tpu.memory_space<hbm>>
            %dma_wait3A_303 = tpu.memref_slice %run_scoped3A_17[%rem3A_297] : memref<2x!tpu.dma_semaphore, #tpu.memory_space<semaphore_mem>> -> memref<1x!tpu.dma_semaphore, #tpu.memory_space<semaphore_mem>>
            %dma_wait3A_304 = tpu.memref_squeeze %dma_wait3A_303 : memref<1x!tpu.dma_semaphore, #tpu.memory_space<semaphore_mem>> -> memref<!tpu.dma_semaphore, #tpu.memory_space<semaphore_mem>>
            %dma_wait3A_305 = arith.constant 0 : i32
            %dma_wait3A_306 = arith.constant 0 : i32
            %dma_wait3A_307 = tpu.memref_slice %run_scoped3A[%rem3A_297, %dma_wait3A_305, %dma_wait3A_306] : memref<2x1x128xi32, #tpu.memory_space<vmem>> -> memref<1x1x128xi32, #tpu.memory_space<vmem>>
            %dma_wait3A_308 = tpu.memref_squeeze %dma_wait3A_307 : memref<1x1x128xi32, #tpu.memory_space<vmem>> -> memref<1x128xi32, #tpu.memory_space<vmem>>
            %dma_wait3A_309 = arith.constant 0 : i32
            %dma_wait3A_310 = tpu.memref_slice %arg3[%dma_wait3A_309, %mul3A_295] : memref<1x4608xi32, #tpu.memory_space<hbm>> -> memref<1x128xi32, #tpu.memory_space<hbm>>
            tpu.wait_dma2 semaphore(%dma_wait3A_304 : memref<!tpu.dma_semaphore, #tpu.memory_space<semaphore_mem>>) src(%dma_wait3A_310 : memref<1x128xi32, #tpu.memory_space<hbm>>) dst(%dma_wait3A_308 : memref<1x128xi32, #tpu.memory_space<vmem>>)
            "tpu.trace_stop"() : () -> ()
          } else {
          }
          %ne3A_216 = arith.cmpi ne, %add3A_155, %add3A_165 : i32
          %or3A_217 = arith.constant false
          %or3A_218 = arith.ori %or3A_217, %ne3A_216 : i1
          %or3A_219 = arith.constant false
          %or3A_220 = arith.ori %or3A_218, %or3A_219 : i1
          %or3A_221 = arith.ori %or3A_220, %eq3A_151 : i1
          %convert_element_type3A_222 = arith.extui %or3A_221 : i1 to i32
          %cond3A_223 = arith.constant 0 : i32
          %cond3A_224 = arith.cmpi ne, %convert_element_type3A_222, %cond3A_223 : i32
          scf.if %cond3A_224 {
          } else {
          }
          %rem3A_225 = arith.constant 2 : i32
          %rem3A_226 = arith.remui %while3A_144, %rem3A_225 : i32
          %rem3A_227 = arith.constant 2 : i32
          %rem3A_228 = arith.remui %while3A_145, %rem3A_227 : i32
          %run_scoped3A_229 = arith.constant 0 : i32
          "tpu.trace_start"() <{level = 10 : i32, message = "ep_run_kernel"}> : () -> ()
          "tpu.region"() ({
            %run_scoped3A_294 = tpu.sem_alloc : memref<!tpu.dma_semaphore, #tpu.memory_space<semaphore_mem>>
            %dma_start3A_295 = arith.constant 0 : i32
            %dma_start3A_296 = arith.constant 0 : i32
            %dma_start3A_297 = tpu.memref_slice %run_scoped3A_18[%rem3A_228, %dma_start3A_295, %dma_start3A_296] : memref<2x128x128xf32, #tpu.memory_space<vmem>> -> memref<1x128x128xf32, #tpu.memory_space<vmem>>
            %dma_start3A_298 = tpu.memref_squeeze %dma_start3A_297 : memref<1x128x128xf32, #tpu.memory_space<vmem>> -> memref<128x128xf32, #tpu.memory_space<vmem>>
            %dma_start3A_299 = arith.constant 0 : i32
            %dma_start3A_300 = arith.constant 0 : i32
            %dma_start3A_301 = tpu.memref_slice %run_scoped3A[%rem3A_226, %dma_start3A_299, %dma_start3A_300] : memref<2x1x128xi32, #tpu.memory_space<vmem>> -> memref<1x1x128xi32, #tpu.memory_space<vmem>>
            %dma_start3A_302 = tpu.memref_squeeze %dma_start3A_301 : memref<1x1x128xi32, #tpu.memory_space<vmem>> -> memref<1x128xi32, #tpu.memory_space<vmem>>
            %dma_start3A_303 = arith.constant 0 : i32
            %dma_start3A_304 = tpu.memref_slice %dma_start3A_302[%run_scoped3A_229, %dma_start3A_303] : memref<1x128xi32, #tpu.memory_space<vmem>> -> memref<1x128xi32, #tpu.memory_space<vmem>>
            %dma_start3A_305 = tpu.memref_squeeze %dma_start3A_304 : memref<1x128xi32, #tpu.memory_space<vmem>> -> memref<128xi32, #tpu.memory_space<vmem>>
            %dma_start3A_306 = arith.constant 0 : i32
            %dma_start3A_307 = arith.constant 0 : i32
            %dma_start3A_308 = tpu.memref_slice %arg2[%dma_start3A_306, %dma_start3A_307] : memref<8192x128xf32, #tpu.memory_space<hbm>> -> memref<8192x128xf32, #tpu.memory_space<hbm>>
            tpu.enqueue_indirect_dma source(%dma_start3A_308 : memref<8192x128xf32, #tpu.memory_space<hbm>>) target(%dma_start3A_298 : memref<128x128xf32, #tpu.memory_space<vmem>>) offsets(%dma_start3A_305 : memref<128xi32, #tpu.memory_space<vmem>>) semaphore(%run_scoped3A_294 : memref<!tpu.dma_semaphore, #tpu.memory_space<semaphore_mem>>)
            %dma_wait3A = arith.constant 0 : i32
            %dma_wait3A_309 = arith.constant 0 : i32
            %dma_wait3A_310 = tpu.memref_slice %run_scoped3A_18[%rem3A_228, %dma_wait3A, %dma_wait3A_309] : memref<2x128x128xf32, #tpu.memory_space<vmem>> -> memref<1x128x128xf32, #tpu.memory_space<vmem>>
            %dma_wait3A_311 = tpu.memref_squeeze %dma_wait3A_310 : memref<1x128x128xf32, #tpu.memory_space<vmem>> -> memref<128x128xf32, #tpu.memory_space<vmem>>
            %dma_wait3A_312 = arith.constant 0 : i32
            %dma_wait3A_313 = arith.constant 0 : i32
            %dma_wait3A_314 = tpu.memref_slice %run_scoped3A[%rem3A_226, %dma_wait3A_312, %dma_wait3A_313] : memref<2x1x128xi32, #tpu.memory_space<vmem>> -> memref<1x1x128xi32, #tpu.memory_space<vmem>>
            %dma_wait3A_315 = tpu.memref_squeeze %dma_wait3A_314 : memref<1x1x128xi32, #tpu.memory_space<vmem>> -> memref<1x128xi32, #tpu.memory_space<vmem>>
            %dma_wait3A_316 = arith.constant 0 : i32
            %dma_wait3A_317 = tpu.memref_slice %dma_wait3A_315[%run_scoped3A_229, %dma_wait3A_316] : memref<1x128xi32, #tpu.memory_space<vmem>> -> memref<1x128xi32, #tpu.memory_space<vmem>>
            %dma_wait3A_318 = tpu.memref_squeeze %dma_wait3A_317 : memref<1x128xi32, #tpu.memory_space<vmem>> -> memref<128xi32, #tpu.memory_space<vmem>>
            %dma_wait3A_319 = arith.constant 0 : i32
            %dma_wait3A_320 = arith.constant 0 : i32
            %dma_wait3A_321 = tpu.memref_slice %arg2[%dma_wait3A_319, %dma_wait3A_320] : memref<8192x128xf32, #tpu.memory_space<hbm>> -> memref<8192x128xf32, #tpu.memory_space<hbm>>
            tpu.wait_indirect_dma semaphore(%run_scoped3A_294 : memref<!tpu.dma_semaphore, #tpu.memory_space<semaphore_mem>>) src(%dma_wait3A_321 : memref<8192x128xf32, #tpu.memory_space<hbm>>) dst(%dma_wait3A_311 : memref<128x128xf32, #tpu.memory_space<vmem>>)
            tpu.yield
          }) : () -> ()
          "tpu.trace_stop"() : () -> ()
          %ne3A_230 = arith.cmpi ne, %add3A_155, %add3A_173 : i32
          %or3A_231 = arith.constant false
          %or3A_232 = arith.ori %or3A_231, %ne3A_230 : i1
          %or3A_233 = arith.ori %or3A_232, %eq3A_154 : i1
          %convert_element_type3A_234 = arith.extui %or3A_233 : i1 to i32
          %cond3A_235 = arith.constant 0 : i32
          %cond3A_236 = arith.cmpi ne, %convert_element_type3A_234, %cond3A_235 : i32
          scf.if %cond3A_236 {
          } else {
          }
          %and3A_237 = arith.constant false
          %and3A_238 = arith.andi %or3A_233, %and3A_237 : i1
          %ne3A_239 = arith.cmpi ne, %add3A_155, %add3A_173 : i32
          %or3A_240 = arith.constant false
          %or3A_241 = arith.ori %or3A_240, %ne3A_239 : i1
          %or3A_242 = arith.constant false
          %or3A_243 = arith.ori %or3A_241, %or3A_242 : i1
          %or3A_244 = arith.ori %or3A_243, %eq3A_154 : i1
          %convert_element_type3A_245 = arith.extui %or3A_244 : i1 to i32
          %cond3A_246 = arith.constant 0 : i32
          %cond3A_247 = arith.cmpi ne, %convert_element_type3A_245, %cond3A_246 : i32
          scf.if %cond3A_247 {
            "tpu.trace_start"() <{level = 10 : i32, message = "ep_copy_out"}> : () -> ()
            %rem3A_294 = arith.constant 2 : i32
            %rem3A_295 = arith.remui %while3A_145, %rem3A_294 : i32
            %mul3A_296 = arith.constant 128 : i32
            %mul3A_297 = arith.muli %mul3A_296, %add3A_155 : i32
            %dma_start3A_298 = arith.constant 0 : i32
            %dma_start3A_299 = arith.constant 0 : i32
            %dma_start3A_300 = tpu.memref_slice %run_scoped3A_18[%rem3A_295, %dma_start3A_298, %dma_start3A_299] : memref<2x128x128xf32, #tpu.memory_space<vmem>> -> memref<1x128x128xf32, #tpu.memory_space<vmem>>
            %dma_start3A_301 = tpu.memref_squeeze %dma_start3A_300 : memref<1x128x128xf32, #tpu.memory_space<vmem>> -> memref<128x128xf32, #tpu.memory_space<vmem>>
            %dma_start3A_302 = arith.constant 0 : i32
            %dma_start3A_303 = tpu.memref_slice %arg4[%mul3A_297, %dma_start3A_302] : memref<4608x128xf32, #tpu.memory_space<hbm>> -> memref<128x128xf32, #tpu.memory_space<hbm>>
            %dma_start3A_304 = tpu.memref_slice %run_scoped3A_19[%rem3A_295] : memref<2x!tpu.dma_semaphore, #tpu.memory_space<semaphore_mem>> -> memref<1x!tpu.dma_semaphore, #tpu.memory_space<semaphore_mem>>
            %dma_start3A_305 = tpu.memref_squeeze %dma_start3A_304 : memref<1x!tpu.dma_semaphore, #tpu.memory_space<semaphore_mem>> -> memref<!tpu.dma_semaphore, #tpu.memory_space<semaphore_mem>>
            %dma_start3A_306 = arith.constant 0 : i32
            %dma_start3A_307 = tpu.memref_slice %arg4[%mul3A_297, %dma_start3A_306] : memref<4608x128xf32, #tpu.memory_space<hbm>> -> memref<128x128xf32, #tpu.memory_space<hbm>>
            %dma_start3A_308 = arith.constant 0 : i32
            %dma_start3A_309 = arith.constant 0 : i32
            %dma_start3A_310 = tpu.memref_slice %run_scoped3A_18[%rem3A_295, %dma_start3A_308, %dma_start3A_309] : memref<2x128x128xf32, #tpu.memory_space<vmem>> -> memref<1x128x128xf32, #tpu.memory_space<vmem>>
            %dma_start3A_311 = tpu.memref_squeeze %dma_start3A_310 : memref<1x128x128xf32, #tpu.memory_space<vmem>> -> memref<128x128xf32, #tpu.memory_space<vmem>>
            tpu.enqueue_dma source(%dma_start3A_311 : memref<128x128xf32, #tpu.memory_space<vmem>>) target(%dma_start3A_307 : memref<128x128xf32, #tpu.memory_space<hbm>>) target_semaphore(%dma_start3A_305 : memref<!tpu.dma_semaphore, #tpu.memory_space<semaphore_mem>>)
            "tpu.trace_stop"() : () -> ()
          } else {
          }
          %and3A_248 = arith.constant true
          %and3A_249 = arith.andi %or3A_244, %and3A_248 : i1
          %add3A_250 = arith.constant 1 : i32
          %add3A_251 = arith.addi %while3A_145, %add3A_250 : i32
          %select_n3A_252 = arith.select %and3A_249, %add3A_251, %while3A_145 : i32
          %ne3A_253 = arith.cmpi ne, %add3A_155, %add3A_165 : i32
          %or3A_254 = arith.constant false
          %or3A_255 = arith.ori %or3A_254, %ne3A_253 : i1
          %not3A_256 = arith.constant true
          %not3A_257 = arith.xori %eq3A_151, %not3A_256 : i1
          %and3A_258 = arith.andi %or3A_255, %not3A_257 : i1
          %convert_element_type3A_259 = arith.extui %and3A_258 : i1 to i32
          %cond3A_260 = arith.constant 0 : i32
          %cond3A_261 = arith.cmpi ne, %convert_element_type3A_259, %cond3A_260 : i32
          scf.if %cond3A_261 {
          } else {
          }
          %and3A_262 = arith.constant false
          %and3A_263 = arith.andi %and3A_258, %and3A_262 : i1
          %ne3A_264 = arith.cmpi ne, %add3A_155, %add3A_165 : i32
          %or3A_265 = arith.constant false
          %or3A_266 = arith.ori %or3A_265, %ne3A_264 : i1
          %or3A_267 = arith.constant false
          %or3A_268 = arith.ori %or3A_266, %or3A_267 : i1
          %not3A_269 = arith.constant true
          %not3A_270 = arith.xori %eq3A_151, %not3A_269 : i1
          %and3A_271 = arith.andi %or3A_268, %not3A_270 : i1
          %convert_element_type3A_272 = arith.extui %and3A_271 : i1 to i32
          %cond3A_273 = arith.constant 0 : i32
          %cond3A_274 = arith.cmpi ne, %convert_element_type3A_272, %cond3A_273 : i32
          scf.if %cond3A_274 {
            "tpu.trace_start"() <{level = 10 : i32, message = "ep_wait_out"}> : () -> ()
            %rem3A_294 = arith.constant 2 : i32
            %rem3A_295 = arith.remui %while3A_146, %rem3A_294 : i32
            %mul3A_296 = arith.constant 128 : i32
            %mul3A_297 = arith.muli %mul3A_296, %add3A_165 : i32
            %dma_wait3A = arith.constant 0 : i32
            %dma_wait3A_298 = arith.constant 0 : i32
            %dma_wait3A_299 = tpu.memref_slice %run_scoped3A_18[%rem3A_295, %dma_wait3A, %dma_wait3A_298] : memref<2x128x128xf32, #tpu.memory_space<vmem>> -> memref<1x128x128xf32, #tpu.memory_space<vmem>>
            %dma_wait3A_300 = tpu.memref_squeeze %dma_wait3A_299 : memref<1x128x128xf32, #tpu.memory_space<vmem>> -> memref<128x128xf32, #tpu.memory_space<vmem>>
            %dma_wait3A_301 = arith.constant 0 : i32
            %dma_wait3A_302 = tpu.memref_slice %arg4[%mul3A_297, %dma_wait3A_301] : memref<4608x128xf32, #tpu.memory_space<hbm>> -> memref<128x128xf32, #tpu.memory_space<hbm>>
            %dma_wait3A_303 = tpu.memref_slice %run_scoped3A_19[%rem3A_295] : memref<2x!tpu.dma_semaphore, #tpu.memory_space<semaphore_mem>> -> memref<1x!tpu.dma_semaphore, #tpu.memory_space<semaphore_mem>>
            %dma_wait3A_304 = tpu.memref_squeeze %dma_wait3A_303 : memref<1x!tpu.dma_semaphore, #tpu.memory_space<semaphore_mem>> -> memref<!tpu.dma_semaphore, #tpu.memory_space<semaphore_mem>>
            %dma_wait3A_305 = arith.constant 0 : i32
            %dma_wait3A_306 = tpu.memref_slice %arg4[%mul3A_297, %dma_wait3A_305] : memref<4608x128xf32, #tpu.memory_space<hbm>> -> memref<128x128xf32, #tpu.memory_space<hbm>>
            %dma_wait3A_307 = arith.constant 0 : i32
            %dma_wait3A_308 = arith.constant 0 : i32
            %dma_wait3A_309 = tpu.memref_slice %run_scoped3A_18[%rem3A_295, %dma_wait3A_307, %dma_wait3A_308] : memref<2x128x128xf32, #tpu.memory_space<vmem>> -> memref<1x128x128xf32, #tpu.memory_space<vmem>>
            %dma_wait3A_310 = tpu.memref_squeeze %dma_wait3A_309 : memref<1x128x128xf32, #tpu.memory_space<vmem>> -> memref<128x128xf32, #tpu.memory_space<vmem>>
            tpu.wait_dma2 semaphore(%dma_wait3A_304 : memref<!tpu.dma_semaphore, #tpu.memory_space<semaphore_mem>>) src(%dma_wait3A_310 : memref<128x128xf32, #tpu.memory_space<vmem>>) dst(%dma_wait3A_306 : memref<128x128xf32, #tpu.memory_space<hbm>>)
            "tpu.trace_stop"() : () -> ()
          } else {
          }
          %and3A_275 = arith.constant true
          %and3A_276 = arith.andi %and3A_271, %and3A_275 : i1
          %add3A_277 = arith.constant 1 : i32
          %add3A_278 = arith.addi %while3A_146, %add3A_277 : i32
          %select_n3A_279 = arith.select %and3A_276, %add3A_278, %while3A_146 : i32
          %ne3A_280 = arith.cmpi ne, %add3A_155, %add3A_173 : i32
          %or3A_281 = arith.constant false
          %or3A_282 = arith.ori %or3A_281, %ne3A_280 : i1
          %or3A_283 = arith.ori %or3A_282, %eq3A_154 : i1
          %add3A_284 = arith.constant 1 : i32
          %add3A_285 = arith.addi %while3A_144, %add3A_284 : i32
          %select_n3A_286 = arith.select %or3A_283, %add3A_285, %while3A_144 : i32
          %add3A_287 = arith.constant 1 : i32
          %add3A_288 = arith.addi %while3A_147, %add3A_287 : i32
          %select_n3A_289 = arith.constant true
          %select_n3A_290 = arith.select %select_n3A_289, %add3A_288, %while3A_147 : i32
          %eq3A_291 = arith.cmpi eq, %select_n3A_290, %select_n3A : i32
          %select_n3A_292 = arith.constant 0 : i32
          %select_n3A_293 = arith.select %eq3A_291, %select_n3A_292, %select_n3A_290 : i32
          scf.yield %select_n3A_195, %select_n3A_286, %select_n3A_252, %select_n3A_279, %select_n3A_293 : i32, i32, i32, i32, i32
        }
        %sub3A_91 = arith.constant 1 : i32
        %sub3A_92 = arith.subi %while3A_90#4, %sub3A_91 : i32
        %select_n3A_93 = arith.constant true
        %select_n3A_94 = arith.select %select_n3A_93, %sub3A_92, %while3A_90#4 : i32
        %eq3A_95 = arith.constant -1 : i32
        %eq3A_96 = arith.cmpi eq, %select_n3A_94, %eq3A_95 : i32
        %sub3A_97 = arith.constant 1 : i32
        %sub3A_98 = arith.subi %select_n3A, %sub3A_97 : i32
        %select_n3A_99 = arith.select %eq3A_96, %sub3A_98, %select_n3A_94 : i32
        %sub3A_100 = arith.constant 1 : i32
        %sub3A_101 = arith.subi %mul3A_16, %sub3A_100 : i32
        %mul3A_102 = arith.constant 1 : i32
        %mul3A_103 = arith.muli %mul3A_102, %select_n3A : i32
        %eq3A_104 = arith.constant 0 : i32
        %eq3A_105 = arith.cmpi eq, %sub3A_101, %eq3A_104 : i32
        %sub3A_106 = arith.constant 1 : i32
        %sub3A_107 = arith.subi %mul3A_103, %sub3A_106 : i32
        %eq3A_108 = arith.cmpi eq, %sub3A_101, %sub3A_107 : i32
        %add3A_109 = arith.addi %select_n3A_99, %select_n3A_14 : i32
        %sub3A_110 = arith.constant 1 : i32
        %sub3A_111 = arith.subi %select_n3A_99, %sub3A_110 : i32
        %select_n3A_112 = arith.constant true
        %select_n3A_113 = arith.select %select_n3A_112, %sub3A_111, %select_n3A_99 : i32
        %eq3A_114 = arith.constant -1 : i32
        %eq3A_115 = arith.cmpi eq, %select_n3A_113, %eq3A_114 : i32
        %sub3A_116 = arith.constant 1 : i32
        %sub3A_117 = arith.subi %select_n3A, %sub3A_116 : i32
        %select_n3A_118 = arith.select %eq3A_115, %sub3A_117, %select_n3A_113 : i32
        %add3A_119 = arith.addi %select_n3A_118, %select_n3A_14 : i32
        %add3A_120 = arith.constant 1 : i32
        %add3A_121 = arith.addi %select_n3A_99, %add3A_120 : i32
        %select_n3A_122 = arith.constant true
        %select_n3A_123 = arith.select %select_n3A_122, %add3A_121, %select_n3A_99 : i32
        %eq3A_124 = arith.cmpi eq, %select_n3A_123, %select_n3A : i32
        %select_n3A_125 = arith.constant 0 : i32
        %select_n3A_126 = arith.select %eq3A_124, %select_n3A_125, %select_n3A_123 : i32
        %add3A_127 = arith.addi %select_n3A_126, %select_n3A_14 : i32
        %add3A_128 = arith.constant 1 : i32
        %add3A_129 = arith.addi %select_n3A_126, %add3A_128 : i32
        %select_n3A_130 = arith.constant true
        %select_n3A_131 = arith.select %select_n3A_130, %add3A_129, %select_n3A_126 : i32
        %eq3A_132 = arith.cmpi eq, %select_n3A_131, %select_n3A : i32
        %select_n3A_133 = arith.constant 0 : i32
        %select_n3A_134 = arith.select %eq3A_132, %select_n3A_133, %select_n3A_131 : i32
        %add3A_135 = arith.addi %select_n3A_134, %select_n3A_14 : i32
        %convert_element_type3A_136 = arith.extui %eq3A_108 : i1 to i32
        %cond3A_137 = arith.constant 0 : i32
        %cond3A_138 = arith.cmpi ne, %convert_element_type3A_136, %cond3A_137 : i32
        scf.if %cond3A_138 {
        } else {
        }
        %convert_element_type3A_139 = arith.extui %eq3A_108 : i1 to i32
        %cond3A_140 = arith.constant 0 : i32
        %cond3A_141 = arith.cmpi ne, %convert_element_type3A_139, %cond3A_140 : i32
        scf.if %cond3A_141 {
          "tpu.trace_start"() <{level = 10 : i32, message = "ep_finalize"}> : () -> ()
          %rem3A_142 = arith.constant 2 : i32
          %rem3A_143 = arith.remui %while3A_90#3, %rem3A_142 : i32
          %mul3A_144 = arith.constant 128 : i32
          %mul3A_145 = arith.muli %mul3A_144, %add3A_109 : i32
          %dma_wait3A = arith.constant 0 : i32
          %dma_wait3A_146 = arith.constant 0 : i32
          %dma_wait3A_147 = tpu.memref_slice %run_scoped3A_18[%rem3A_143, %dma_wait3A, %dma_wait3A_146] : memref<2x128x128xf32, #tpu.memory_space<vmem>> -> memref<1x128x128xf32, #tpu.memory_space<vmem>>
          %dma_wait3A_148 = tpu.memref_squeeze %dma_wait3A_147 : memref<1x128x128xf32, #tpu.memory_space<vmem>> -> memref<128x128xf32, #tpu.memory_space<vmem>>
          %dma_wait3A_149 = arith.constant 0 : i32
          %dma_wait3A_150 = tpu.memref_slice %arg4[%mul3A_145, %dma_wait3A_149] : memref<4608x128xf32, #tpu.memory_space<hbm>> -> memref<128x128xf32, #tpu.memory_space<hbm>>
          %dma_wait3A_151 = tpu.memref_slice %run_scoped3A_19[%rem3A_143] : memref<2x!tpu.dma_semaphore, #tpu.memory_space<semaphore_mem>> -> memref<1x!tpu.dma_semaphore, #tpu.memory_space<semaphore_mem>>
          %dma_wait3A_152 = tpu.memref_squeeze %dma_wait3A_151 : memref<1x!tpu.dma_semaphore, #tpu.memory_space<semaphore_mem>> -> memref<!tpu.dma_semaphore, #tpu.memory_space<semaphore_mem>>
          %dma_wait3A_153 = arith.constant 0 : i32
          %dma_wait3A_154 = tpu.memref_slice %arg4[%mul3A_145, %dma_wait3A_153] : memref<4608x128xf32, #tpu.memory_space<hbm>> -> memref<128x128xf32, #tpu.memory_space<hbm>>
          %dma_wait3A_155 = arith.constant 0 : i32
          %dma_wait3A_156 = arith.constant 0 : i32
          %dma_wait3A_157 = tpu.memref_slice %run_scoped3A_18[%rem3A_143, %dma_wait3A_155, %dma_wait3A_156] : memref<2x128x128xf32, #tpu.memory_space<vmem>> -> memref<1x128x128xf32, #tpu.memory_space<vmem>>
          %dma_wait3A_158 = tpu.memref_squeeze %dma_wait3A_157 : memref<1x128x128xf32, #tpu.memory_space<vmem>> -> memref<128x128xf32, #tpu.memory_space<vmem>>
          tpu.wait_dma2 semaphore(%dma_wait3A_152 : memref<!tpu.dma_semaphore, #tpu.memory_space<semaphore_mem>>) src(%dma_wait3A_158 : memref<128x128xf32, #tpu.memory_space<vmem>>) dst(%dma_wait3A_154 : memref<128x128xf32, #tpu.memory_space<hbm>>)
          "tpu.trace_stop"() : () -> ()
        } else {
        }
      } else {
      }
      tpu.yield
    }) : () -> ()
    return
  }
}

#map = affine_map<(d0, d1) -> (0, 0)>
module attributes {stable_mosaic.version = 14 : i64} {
  func.func @gather_kernel(%arg0: i32, %arg1: i32, %arg2: memref<8192x128xf32, #tpu.memory_space<hbm>>, %arg3: memref<1x4608xi32, #tpu.memory_space<hbm>>, %arg4: memref<4608x128xf32, #tpu.memory_space<hbm>>) attributes {dimension_semantics = [#tpu.dimension_semantics<core_parallel>, #tpu.dimension_semantics<subcore_parallel>], iteration_bounds = array<i64: 2, 16>, scalar_prefetch = 0 : i64, scratch_operands = 0 : i64, tpu.core_type = #tpu.core_type<sc_vector_subcore>, window_params = [{transform_indices = #map}, {transform_indices = #map}, {transform_indices = #map}]} {
    %mul3A = arith.constant 1 : i32
    %mul3A_0 = arith.muli %arg1, %mul3A : i32
    %add3A = arith.constant 0 : i32
    %add3A_1 = arith.addi %add3A, %mul3A_0 : i32
    %mul3A_2 = arith.constant 16 : i32
    %mul3A_3 = arith.muli %arg0, %mul3A_2 : i32
    %add3A_4 = arith.addi %add3A_1, %mul3A_3 : i32
    %lt3A = arith.constant 4 : i32
    %lt3A_5 = arith.cmpi slt, %add3A_4, %lt3A : i32
    %jit3A = arith.constant 2 : i32
    %jit3A_6 = arith.constant 1 : i32
    %select_n3A = arith.select %lt3A_5, %jit3A, %jit3A_6 : i32
    %lt3A_7 = arith.constant 4 : i32
    %lt3A_8 = arith.cmpi slt, %add3A_4, %lt3A_7 : i32
    %mul3A_9 = arith.muli %add3A_4, %select_n3A : i32
    %mul3A_10 = arith.constant 1 : i32
    %mul3A_11 = arith.muli %add3A_4, %mul3A_10 : i32
    %add3A_12 = arith.constant 4 : i32
    %add3A_13 = arith.addi %mul3A_11, %add3A_12 : i32
    %select_n3A_14 = arith.select %lt3A_8, %mul3A_9, %add3A_13 : i32
    %mul3A_15 = arith.constant 1 : i32
    %mul3A_16 = arith.muli %mul3A_15, %select_n3A : i32
    "tpu.region"() ({
      %run_scoped3A = memref.alloca() : memref<2x1x128xi32, #tpu.memory_space<vmem>>
      %run_scoped3A_17 = tpu.sem_alloc : memref<2x!tpu.dma_semaphore, #tpu.memory_space<semaphore_mem>>
      %run_scoped3A_18 = memref.alloca() : memref<2x128x128xf32, #tpu.memory_space<vmem>>
      %run_scoped3A_19 = tpu.sem_alloc : memref<2x!tpu.dma_semaphore, #tpu.memory_space<semaphore_mem>>
      %gt3A = arith.constant 0 : i32
      %gt3A_20 = arith.cmpi sgt, %mul3A_16, %gt3A : i32
      %convert_element_type3A = arith.extui %gt3A_20 : i1 to i32
      %cond3A = arith.constant 0 : i32
      %cond3A_21 = arith.cmpi ne, %convert_element_type3A, %cond3A : i32
      scf.if %cond3A_21 {
        %mul3A_22 = arith.constant 1 : i32
        %mul3A_23 = arith.muli %mul3A_22, %select_n3A : i32
        %sub3A = arith.constant 1 : i32
        %sub3A_24 = arith.subi %mul3A_23, %sub3A : i32
        %eq3A = arith.constant 0 : i32
        %eq3A_25 = arith.cmpi eq, %sub3A_24, %eq3A : i32
        %add3A_26 = arith.constant 0 : i32
        %add3A_27 = arith.addi %add3A_26, %select_n3A_14 : i32
        %select_n3A_28 = arith.constant true
        %select_n3A_29 = arith.constant 0 : i32
        %select_n3A_30 = arith.constant -1 : i32
        %select_n3A_31 = arith.select %select_n3A_28, %select_n3A_30, %select_n3A_29 : i32
        %eq3A_32 = arith.constant -1 : i32
        %eq3A_33 = arith.cmpi eq, %select_n3A_31, %eq3A_32 : i32
        %sub3A_34 = arith.constant 1 : i32
        %sub3A_35 = arith.subi %select_n3A, %sub3A_34 : i32
        %select_n3A_36 = arith.select %eq3A_33, %sub3A_35, %select_n3A_31 : i32
        %add3A_37 = arith.addi %select_n3A_36, %select_n3A_14 : i32
        %select_n3A_38 = arith.constant true
        %select_n3A_39 = arith.constant 0 : i32
        %select_n3A_40 = arith.constant 1 : i32
        %select_n3A_41 = arith.select %select_n3A_38, %select_n3A_40, %select_n3A_39 : i32
        %eq3A_42 = arith.cmpi eq, %select_n3A_41, %select_n3A : i32
        %select_n3A_43 = arith.constant 0 : i32
        %select_n3A_44 = arith.select %eq3A_42, %select_n3A_43, %select_n3A_41 : i32
        %add3A_45 = arith.addi %select_n3A_44, %select_n3A_14 : i32
        %add3A_46 = arith.constant 1 : i32
        %add3A_47 = arith.addi %select_n3A_44, %add3A_46 : i32
        %select_n3A_48 = arith.constant true
        %select_n3A_49 = arith.select %select_n3A_48, %add3A_47, %select_n3A_44 : i32
        %eq3A_50 = arith.cmpi eq, %select_n3A_49, %select_n3A : i32
        %select_n3A_51 = arith.constant 0 : i32
        %select_n3A_52 = arith.select %eq3A_50, %select_n3A_51, %select_n3A_49 : i32
        %add3A_53 = arith.addi %select_n3A_52, %select_n3A_14 : i32
        "tpu.trace_start"() <{level = 10 : i32, message = "ep_initialize_0"}> : () -> ()
        %rem3A = arith.constant 0 : i32
        %rem3A_54 = arith.constant 2 : i32
        %rem3A_55 = arith.remui %rem3A, %rem3A_54 : i32
        %mul3A_56 = arith.constant 128 : i32
        %mul3A_57 = arith.muli %mul3A_56, %add3A_27 : i32
        %dma_start3A = arith.constant 0 : i32
        %dma_start3A_58 = arith.constant 0 : i32
        %dma_start3A_59 = tpu.memref_slice %run_scoped3A[%rem3A_55, %dma_start3A, %dma_start3A_58] : memref<2x1x128xi32, #tpu.memory_space<vmem>> -> memref<1x1x128xi32, #tpu.memory_space<vmem>>
        %dma_start3A_60 = tpu.memref_squeeze %dma_start3A_59 : memref<1x1x128xi32, #tpu.memory_space<vmem>> -> memref<1x128xi32, #tpu.memory_space<vmem>>
        %dma_start3A_61 = arith.constant 0 : i32
        %dma_start3A_62 = tpu.memref_slice %arg3[%dma_start3A_61, %mul3A_57] : memref<1x4608xi32, #tpu.memory_space<hbm>> -> memref<1x128xi32, #tpu.memory_space<hbm>>
        %dma_start3A_63 = tpu.memref_slice %run_scoped3A_17[%rem3A_55] : memref<2x!tpu.dma_semaphore, #tpu.memory_space<semaphore_mem>> -> memref<1x!tpu.dma_semaphore, #tpu.memory_space<semaphore_mem>>
        %dma_start3A_64 = tpu.memref_squeeze %dma_start3A_63 : memref<1x!tpu.dma_semaphore, #tpu.memory_space<semaphore_mem>> -> memref<!tpu.dma_semaphore, #tpu.memory_space<semaphore_mem>>
        %dma_start3A_65 = arith.constant 0 : i32
        %dma_start3A_66 = arith.constant 0 : i32
        %dma_start3A_67 = tpu.memref_slice %run_scoped3A[%rem3A_55, %dma_start3A_65, %dma_start3A_66] : memref<2x1x128xi32, #tpu.memory_space<vmem>> -> memref<1x1x128xi32, #tpu.memory_space<vmem>>
        %dma_start3A_68 = tpu.memref_squeeze %dma_start3A_67 : memref<1x1x128xi32, #tpu.memory_space<vmem>> -> memref<1x128xi32, #tpu.memory_space<vmem>>
        %dma_start3A_69 = arith.constant 0 : i32
        %dma_start3A_70 = tpu.memref_slice %arg3[%dma_start3A_69, %mul3A_57] : memref<1x4608xi32, #tpu.memory_space<hbm>> -> memref<1x128xi32, #tpu.memory_space<hbm>>
        tpu.enqueue_dma source(%dma_start3A_70 : memref<1x128xi32, #tpu.memory_space<hbm>>) target(%dma_start3A_68 : memref<1x128xi32, #tpu.memory_space<vmem>>) target_semaphore(%dma_start3A_64 : memref<!tpu.dma_semaphore, #tpu.memory_space<semaphore_mem>>)
        %add3A_71 = arith.constant 0 : i32
        %add3A_72 = arith.constant 1 : i32
        %add3A_73 = arith.addi %add3A_71, %add3A_72 : i32
        %select_n3A_74 = arith.constant true
        %select_n3A_75 = arith.constant 0 : i32
        %select_n3A_76 = arith.select %select_n3A_74, %add3A_73, %select_n3A_75 : i32
        %while3A = arith.constant 0 : i32
        %while3A_77 = arith.constant 0 : i32
        %while3A_78 = arith.constant 0 : i32
        %while3A_79 = arith.constant 0 : i32
        %while3A_80 = arith.constant 0 : i32
        "tpu.trace_stop"() : () -> ()
        %while3A_81 = arith.subi %mul3A_16, %while3A : i32
        %while3A_82 = arith.addi %while3A, %while3A_81 : i32
        %while3A_83 = arith.constant 1 : i32
        %while3A_84 = arith.divsi %while3A_81, %while3A_83 : i32
        %while3A_85 = arith.muli %while3A_84, %while3A_83 : i32
        %while3A_86 = arith.addi %while3A, %while3A_85 : i32
        %while3A_87 = arith.constant 1 : i32
        %while3A_88:5 = scf.for %while3A_142 = %while3A to %while3A_86 step %while3A_87 iter_args(%while3A_143 = %select_n3A_76, %while3A_144 = %while3A_77, %while3A_145 = %while3A_78, %while3A_146 = %while3A_79, %while3A_147 = %while3A_80) -> (i32, i32, i32, i32, i32)  : i32 {
          %mul3A_148 = arith.constant 1 : i32
          %mul3A_149 = arith.muli %mul3A_148, %select_n3A : i32
          %eq3A_150 = arith.constant 0 : i32
          %eq3A_151 = arith.cmpi eq, %while3A_142, %eq3A_150 : i32
          %sub3A_152 = arith.constant 1 : i32
          %sub3A_153 = arith.subi %mul3A_149, %sub3A_152 : i32
          %eq3A_154 = arith.cmpi eq, %while3A_142, %sub3A_153 : i32
          %add3A_155 = arith.addi %while3A_147, %select_n3A_14 : i32
          %sub3A_156 = arith.constant 1 : i32
          %sub3A_157 = arith.subi %while3A_147, %sub3A_156 : i32
          %select_n3A_158 = arith.constant true
          %select_n3A_159 = arith.select %select_n3A_158, %sub3A_157, %while3A_147 : i32
          %eq3A_160 = arith.constant -1 : i32
          %eq3A_161 = arith.cmpi eq, %select_n3A_159, %eq3A_160 : i32
          %sub3A_162 = arith.constant 1 : i32
          %sub3A_163 = arith.subi %select_n3A, %sub3A_162 : i32
          %select_n3A_164 = arith.select %eq3A_161, %sub3A_163, %select_n3A_159 : i32
          %add3A_165 = arith.addi %select_n3A_164, %select_n3A_14 : i32
          %add3A_166 = arith.constant 1 : i32
          %add3A_167 = arith.addi %while3A_147, %add3A_166 : i32
          %select_n3A_168 = arith.constant true
          %select_n3A_169 = arith.select %select_n3A_168, %add3A_167, %while3A_147 : i32
          %eq3A_170 = arith.cmpi eq, %select_n3A_169, %select_n3A : i32
          %select_n3A_171 = arith.constant 0 : i32
          %select_n3A_172 = arith.select %eq3A_170, %select_n3A_171, %select_n3A_169 : i32
          %add3A_173 = arith.addi %select_n3A_172, %select_n3A_14 : i32
          %add3A_174 = arith.constant 1 : i32
          %add3A_175 = arith.addi %select_n3A_172, %add3A_174 : i32
          %select_n3A_176 = arith.constant true
          %select_n3A_177 = arith.select %select_n3A_176, %add3A_175, %select_n3A_172 : i32
          %eq3A_178 = arith.cmpi eq, %select_n3A_177, %select_n3A : i32
          %select_n3A_179 = arith.constant 0 : i32
          %select_n3A_180 = arith.select %eq3A_178, %select_n3A_179, %select_n3A_177 : i32
          %add3A_181 = arith.addi %select_n3A_180, %select_n3A_14 : i32
          %ne3A = arith.cmpi ne, %add3A_155, %add3A_173 : i32
          %or3A = arith.constant false
          %or3A_182 = arith.ori %or3A, %ne3A : i1
          %sub3A_183 = arith.constant 2 : i32
          %sub3A_184 = arith.subi %mul3A_149, %sub3A_183 : i32
          %add3A_185 = arith.constant 1 : i32
          %add3A_186 = arith.addi %sub3A_184, %add3A_185 : i32
          %ge3A = arith.cmpi sge, %while3A_142, %add3A_186 : i32
          %not3A = arith.constant true
          %not3A_187 = arith.xori %ge3A, %not3A : i1
          %and3A = arith.andi %or3A_182, %not3A_187 : i1
          %convert_element_type3A_188 = arith.extui %and3A : i1 to i32
          %cond3A_189 = arith.constant 0 : i32
          %cond3A_190 = arith.cmpi ne, %convert_element_type3A_188, %cond3A_189 : i32
          scf.if %cond3A_190 {
            "tpu.trace_start"() <{level = 10 : i32, message = "ep_copy_in"}> : () -> ()
            %rem3A_294 = arith.constant 2 : i32
            %rem3A_295 = arith.remui %while3A_143, %rem3A_294 : i32
            %mul3A_296 = arith.constant 128 : i32
            %mul3A_297 = arith.muli %mul3A_296, %add3A_173 : i32
            %dma_start3A_298 = arith.constant 0 : i32
            %dma_start3A_299 = arith.constant 0 : i32
            %dma_start3A_300 = tpu.memref_slice %run_scoped3A[%rem3A_295, %dma_start3A_298, %dma_start3A_299] : memref<2x1x128xi32, #tpu.memory_space<vmem>> -> memref<1x1x128xi32, #tpu.memory_space<vmem>>
            %dma_start3A_301 = tpu.memref_squeeze %dma_start3A_300 : memref<1x1x128xi32, #tpu.memory_space<vmem>> -> memref<1x128xi32, #tpu.memory_space<vmem>>
            %dma_start3A_302 = arith.constant 0 : i32
            %dma_start3A_303 = tpu.memref_slice %arg3[%dma_start3A_302, %mul3A_297] : memref<1x4608xi32, #tpu.memory_space<hbm>> -> memref<1x128xi32, #tpu.memory_space<hbm>>
            %dma_start3A_304 = tpu.memref_slice %run_scoped3A_17[%rem3A_295] : memref<2x!tpu.dma_semaphore, #tpu.memory_space<semaphore_mem>> -> memref<1x!tpu.dma_semaphore, #tpu.memory_space<semaphore_mem>>
            %dma_start3A_305 = tpu.memref_squeeze %dma_start3A_304 : memref<1x!tpu.dma_semaphore, #tpu.memory_space<semaphore_mem>> -> memref<!tpu.dma_semaphore, #tpu.memory_space<semaphore_mem>>
            %dma_start3A_306 = arith.constant 0 : i32
            %dma_start3A_307 = arith.constant 0 : i32
            %dma_start3A_308 = tpu.memref_slice %run_scoped3A[%rem3A_295, %dma_start3A_306, %dma_start3A_307] : memref<2x1x128xi32, #tpu.memory_space<vmem>> -> memref<1x1x128xi32, #tpu.memory_space<vmem>>
            %dma_start3A_309 = tpu.memref_squeeze %dma_start3A_308 : memref<1x1x128xi32, #tpu.memory_space<vmem>> -> memref<1x128xi32, #tpu.memory_space<vmem>>
            %dma_start3A_310 = arith.constant 0 : i32
            %dma_start3A_311 = tpu.memref_slice %arg3[%dma_start3A_310, %mul3A_297] : memref<1x4608xi32, #tpu.memory_space<hbm>> -> memref<1x128xi32, #tpu.memory_space<hbm>>
            tpu.enqueue_dma source(%dma_start3A_311 : memref<1x128xi32, #tpu.memory_space<hbm>>) target(%dma_start3A_309 : memref<1x128xi32, #tpu.memory_space<vmem>>) target_semaphore(%dma_start3A_305 : memref<!tpu.dma_semaphore, #tpu.memory_space<semaphore_mem>>)
            "tpu.trace_stop"() : () -> ()
          } else {
          }
          %and3A_191 = arith.constant true
          %and3A_192 = arith.andi %and3A, %and3A_191 : i1
          %add3A_193 = arith.constant 1 : i32
          %add3A_194 = arith.addi %while3A_143, %add3A_193 : i32
          %select_n3A_195 = arith.select %and3A_192, %add3A_194, %while3A_143 : i32
          %ne3A_196 = arith.cmpi ne, %add3A_155, %add3A_173 : i32
          %or3A_197 = arith.constant false
          %or3A_198 = arith.ori %or3A_197, %ne3A_196 : i1
          %or3A_199 = arith.constant false
          %or3A_200 = arith.ori %or3A_198, %or3A_199 : i1
          %sub3A_201 = arith.constant 2 : i32
          %sub3A_202 = arith.subi %mul3A_149, %sub3A_201 : i32
          %add3A_203 = arith.constant 1 : i32
          %add3A_204 = arith.addi %sub3A_202, %add3A_203 : i32
          %ge3A_205 = arith.cmpi sge, %while3A_142, %add3A_204 : i32
          %not3A_206 = arith.constant true
          %not3A_207 = arith.xori %ge3A_205, %not3A_206 : i1
          %and3A_208 = arith.andi %or3A_200, %not3A_207 : i1
          %ne3A_209 = arith.cmpi ne, %add3A_155, %add3A_165 : i32
          %or3A_210 = arith.constant false
          %or3A_211 = arith.ori %or3A_210, %ne3A_209 : i1
          %or3A_212 = arith.ori %or3A_211, %eq3A_151 : i1
          %convert_element_type3A_213 = arith.extui %or3A_212 : i1 to i32
          %cond3A_214 = arith.constant 0 : i32
          %cond3A_215 = arith.cmpi ne, %convert_element_type3A_213, %cond3A_214 : i32
          scf.if %cond3A_215 {
            "tpu.trace_start"() <{level = 10 : i32, message = "ep_wait_in"}> : () -> ()
            %mul3A_294 = arith.constant 128 : i32
            %mul3A_295 = arith.muli %mul3A_294, %add3A_155 : i32
            %rem3A_296 = arith.constant 2 : i32
            %rem3A_297 = arith.remui %while3A_144, %rem3A_296 : i32
            %dma_wait3A = arith.constant 0 : i32
            %dma_wait3A_298 = arith.constant 0 : i32
            %dma_wait3A_299 = tpu.memref_slice %run_scoped3A[%rem3A_297, %dma_wait3A, %dma_wait3A_298] : memref<2x1x128xi32, #tpu.memory_space<vmem>> -> memref<1x1x128xi32, #tpu.memory_space<vmem>>
            %dma_wait3A_300 = tpu.memref_squeeze %dma_wait3A_299 : memref<1x1x128xi32, #tpu.memory_space<vmem>> -> memref<1x128xi32, #tpu.memory_space<vmem>>
            %dma_wait3A_301 = arith.constant 0 : i32
            %dma_wait3A_302 = tpu.memref_slice %arg3[%dma_wait3A_301, %mul3A_295] : memref<1x4608xi32, #tpu.memory_space<hbm>> -> memref<1x128xi32, #tpu.memory_space<hbm>>
            %dma_wait3A_303 = tpu.memref_slice %run_scoped3A_17[%rem3A_297] : memref<2x!tpu.dma_semaphore, #tpu.memory_space<semaphore_mem>> -> memref<1x!tpu.dma_semaphore, #tpu.memory_space<semaphore_mem>>
            %dma_wait3A_304 = tpu.memref_squeeze %dma_wait3A_303 : memref<1x!tpu.dma_semaphore, #tpu.memory_space<semaphore_mem>> -> memref<!tpu.dma_semaphore, #tpu.memory_space<semaphore_mem>>
            %dma_wait3A_305 = arith.constant 0 : i32
            %dma_wait3A_306 = arith.constant 0 : i32
            %dma_wait3A_307 = tpu.memref_slice %run_scoped3A[%rem3A_297, %dma_wait3A_305, %dma_wait3A_306] : memref<2x1x128xi32, #tpu.memory_space<vmem>> -> memref<1x1x128xi32, #tpu.memory_space<vmem>>
            %dma_wait3A_308 = tpu.memref_squeeze %dma_wait3A_307 : memref<1x1x128xi32, #tpu.memory_space<vmem>> -> memref<1x128xi32, #tpu.memory_space<vmem>>
            %dma_wait3A_309 = arith.constant 0 : i32
            %dma_wait3A_310 = tpu.memref_slice %arg3[%dma_wait3A_309, %mul3A_295] : memref<1x4608xi32, #tpu.memory_space<hbm>> -> memref<1x128xi32, #tpu.memory_space<hbm>>
            tpu.wait_dma2 semaphore(%dma_wait3A_304 : memref<!tpu.dma_semaphore, #tpu.memory_space<semaphore_mem>>) src(%dma_wait3A_310 : memref<1x128xi32, #tpu.memory_space<hbm>>) dst(%dma_wait3A_308 : memref<1x128xi32, #tpu.memory_space<vmem>>)
            "tpu.trace_stop"() : () -> ()
          } else {
          }
          %ne3A_216 = arith.cmpi ne, %add3A_155, %add3A_165 : i32
          %or3A_217 = arith.constant false
          %or3A_218 = arith.ori %or3A_217, %ne3A_216 : i1
          %or3A_219 = arith.constant false
          %or3A_220 = arith.ori %or3A_218, %or3A_219 : i1
          %or3A_221 = arith.ori %or3A_220, %eq3A_151 : i1
          %convert_element_type3A_222 = arith.extui %or3A_221 : i1 to i32
          %cond3A_223 = arith.constant 0 : i32
          %cond3A_224 = arith.cmpi ne, %convert_element_type3A_222, %cond3A_223 : i32
          scf.if %cond3A_224 {
          } else {
          }
          %rem3A_225 = arith.constant 2 : i32
          %rem3A_226 = arith.remui %while3A_144, %rem3A_225 : i32
          %rem3A_227 = arith.constant 2 : i32
          %rem3A_228 = arith.remui %while3A_145, %rem3A_227 : i32
          %run_scoped3A_229 = arith.constant 0 : i32
          "tpu.trace_start"() <{level = 10 : i32, message = "ep_run_kernel"}> : () -> ()
          "tpu.region"() ({
            %run_scoped3A_294 = tpu.sem_alloc : memref<!tpu.dma_semaphore, #tpu.memory_space<semaphore_mem>>
            %dma_start3A_295 = arith.constant 0 : i32
            %dma_start3A_296 = arith.constant 0 : i32
            %dma_start3A_297 = tpu.memref_slice %run_scoped3A_18[%rem3A_228, %dma_start3A_295, %dma_start3A_296] : memref<2x128x128xf32, #tpu.memory_space<vmem>> -> memref<1x128x128xf32, #tpu.memory_space<vmem>>
            %dma_start3A_298 = tpu.memref_squeeze %dma_start3A_297 : memref<1x128x128xf32, #tpu.memory_space<vmem>> -> memref<128x128xf32, #tpu.memory_space<vmem>>
            %dma_start3A_299 = arith.constant 0 : i32
            %dma_start3A_300 = arith.constant 0 : i32
            %dma_start3A_301 = tpu.memref_slice %run_scoped3A[%rem3A_226, %dma_start3A_299, %dma_start3A_300] : memref<2x1x128xi32, #tpu.memory_space<vmem>> -> memref<1x1x128xi32, #tpu.memory_space<vmem>>
            %dma_start3A_302 = tpu.memref_squeeze %dma_start3A_301 : memref<1x1x128xi32, #tpu.memory_space<vmem>> -> memref<1x128xi32, #tpu.memory_space<vmem>>
            %dma_start3A_303 = arith.constant 0 : i32
            %dma_start3A_304 = tpu.memref_slice %dma_start3A_302[%run_scoped3A_229, %dma_start3A_303] : memref<1x128xi32, #tpu.memory_space<vmem>> -> memref<1x128xi32, #tpu.memory_space<vmem>>
            %dma_start3A_305 = tpu.memref_squeeze %dma_start3A_304 : memref<1x128xi32, #tpu.memory_space<vmem>> -> memref<128xi32, #tpu.memory_space<vmem>>
            %dma_start3A_306 = arith.constant 0 : i32
            %dma_start3A_307 = arith.constant 0 : i32
            %dma_start3A_308 = tpu.memref_slice %arg2[%dma_start3A_306, %dma_start3A_307] : memref<8192x128xf32, #tpu.memory_space<hbm>> -> memref<8192x128xf32, #tpu.memory_space<hbm>>
            tpu.enqueue_indirect_dma source(%dma_start3A_308 : memref<8192x128xf32, #tpu.memory_space<hbm>>) target(%dma_start3A_298 : memref<128x128xf32, #tpu.memory_space<vmem>>) offsets(%dma_start3A_305 : memref<128xi32, #tpu.memory_space<vmem>>) semaphore(%run_scoped3A_294 : memref<!tpu.dma_semaphore, #tpu.memory_space<semaphore_mem>>)
            %dma_wait3A = arith.constant 0 : i32
            %dma_wait3A_309 = arith.constant 0 : i32
            %dma_wait3A_310 = tpu.memref_slice %run_scoped3A_18[%rem3A_228, %dma_wait3A, %dma_wait3A_309] : memref<2x128x128xf32, #tpu.memory_space<vmem>> -> memref<1x128x128xf32, #tpu.memory_space<vmem>>
            %dma_wait3A_311 = tpu.memref_squeeze %dma_wait3A_310 : memref<1x128x128xf32, #tpu.memory_space<vmem>> -> memref<128x128xf32, #tpu.memory_space<vmem>>
            %dma_wait3A_312 = arith.constant 0 : i32
            %dma_wait3A_313 = arith.constant 0 : i32
            %dma_wait3A_314 = tpu.memref_slice %run_scoped3A[%rem3A_226, %dma_wait3A_312, %dma_wait3A_313] : memref<2x1x128xi32, #tpu.memory_space<vmem>> -> memref<1x1x128xi32, #tpu.memory_space<vmem>>
            %dma_wait3A_315 = tpu.memref_squeeze %dma_wait3A_314 : memref<1x1x128xi32, #tpu.memory_space<vmem>> -> memref<1x128xi32, #tpu.memory_space<vmem>>
            %dma_wait3A_316 = arith.constant 0 : i32
            %dma_wait3A_317 = tpu.memref_slice %dma_wait3A_315[%run_scoped3A_229, %dma_wait3A_316] : memref<1x128xi32, #tpu.memory_space<vmem>> -> memref<1x128xi32, #tpu.memory_space<vmem>>
            %dma_wait3A_318 = tpu.memref_squeeze %dma_wait3A_317 : memref<1x128xi32, #tpu.memory_space<vmem>> -> memref<128xi32, #tpu.memory_space<vmem>>
            %dma_wait3A_319 = arith.constant 0 : i32
            %dma_wait3A_320 = arith.constant 0 : i32
            %dma_wait3A_321 = tpu.memref_slice %arg2[%dma_wait3A_319, %dma_wait3A_320] : memref<8192x128xf32, #tpu.memory_space<hbm>> -> memref<8192x128xf32, #tpu.memory_space<hbm>>
            tpu.wait_indirect_dma semaphore(%run_scoped3A_294 : memref<!tpu.dma_semaphore, #tpu.memory_space<semaphore_mem>>) src(%dma_wait3A_321 : memref<8192x128xf32, #tpu.memory_space<hbm>>) dst(%dma_wait3A_311 : memref<128x128xf32, #tpu.memory_space<vmem>>)
            tpu.yield
          }) : () -> ()
          "tpu.trace_stop"() : () -> ()
          %ne3A_230 = arith.cmpi ne, %add3A_155, %add3A_173 : i32
          %or3A_231 = arith.constant false
          %or3A_232 = arith.ori %or3A_231, %ne3A_230 : i1
          %or3A_233 = arith.ori %or3A_232, %eq3A_154 : i1
          %convert_element_type3A_234 = arith.extui %or3A_233 : i1 to i32
          %cond3A_235 = arith.constant 0 : i32
          %cond3A_236 = arith.cmpi ne, %convert_element_type3A_234, %cond3A_235 : i32
          scf.if %cond3A_236 {
          } else {
          }
          %and3A_237 = arith.constant false
          %and3A_238 = arith.andi %or3A_233, %and3A_237 : i1
          %ne3A_239 = arith.cmpi ne, %add3A_155, %add3A_173 : i32
          %or3A_240 = arith.constant false
          %or3A_241 = arith.ori %or3A_240, %ne3A_239 : i1
          %or3A_242 = arith.constant false
          %or3A_243 = arith.ori %or3A_241, %or3A_242 : i1
          %or3A_244 = arith.ori %or3A_243, %eq3A_154 : i1
          %convert_element_type3A_245 = arith.extui %or3A_244 : i1 to i32
          %cond3A_246 = arith.constant 0 : i32
          %cond3A_247 = arith.cmpi ne, %convert_element_type3A_245, %cond3A_246 : i32
          scf.if %cond3A_247 {
            "tpu.trace_start"() <{level = 10 : i32, message = "ep_copy_out"}> : () -> ()
            %rem3A_294 = arith.constant 2 : i32
            %rem3A_295 = arith.remui %while3A_145, %rem3A_294 : i32
            %mul3A_296 = arith.constant 128 : i32
            %mul3A_297 = arith.muli %mul3A_296, %add3A_155 : i32
            %dma_start3A_298 = arith.constant 0 : i32
            %dma_start3A_299 = arith.constant 0 : i32
            %dma_start3A_300 = tpu.memref_slice %run_scoped3A_18[%rem3A_295, %dma_start3A_298, %dma_start3A_299] : memref<2x128x128xf32, #tpu.memory_space<vmem>> -> memref<1x128x128xf32, #tpu.memory_space<vmem>>
            %dma_start3A_301 = tpu.memref_squeeze %dma_start3A_300 : memref<1x128x128xf32, #tpu.memory_space<vmem>> -> memref<128x128xf32, #tpu.memory_space<vmem>>
            %dma_start3A_302 = arith.constant 0 : i32
            %dma_start3A_303 = tpu.memref_slice %arg4[%mul3A_297, %dma_start3A_302] : memref<4608x128xf32, #tpu.memory_space<hbm>> -> memref<128x128xf32, #tpu.memory_space<hbm>>
            %dma_start3A_304 = tpu.memref_slice %run_scoped3A_19[%rem3A_295] : memref<2x!tpu.dma_semaphore, #tpu.memory_space<semaphore_mem>> -> memref<1x!tpu.dma_semaphore, #tpu.memory_space<semaphore_mem>>
            %dma_start3A_305 = tpu.memref_squeeze %dma_start3A_304 : memref<1x!tpu.dma_semaphore, #tpu.memory_space<semaphore_mem>> -> memref<!tpu.dma_semaphore, #tpu.memory_space<semaphore_mem>>
            %dma_start3A_306 = arith.constant 0 : i32
            %dma_start3A_307 = tpu.memref_slice %arg4[%mul3A_297, %dma_start3A_306] : memref<4608x128xf32, #tpu.memory_space<hbm>> -> memref<128x128xf32, #tpu.memory_space<hbm>>
            %dma_start3A_308 = arith.constant 0 : i32
            %dma_start3A_309 = arith.constant 0 : i32
            %dma_start3A_310 = tpu.memref_slice %run_scoped3A_18[%rem3A_295, %dma_start3A_308, %dma_start3A_309] : memref<2x128x128xf32, #tpu.memory_space<vmem>> -> memref<1x128x128xf32, #tpu.memory_space<vmem>>
            %dma_start3A_311 = tpu.memref_squeeze %dma_start3A_310 : memref<1x128x128xf32, #tpu.memory_space<vmem>> -> memref<128x128xf32, #tpu.memory_space<vmem>>
            tpu.enqueue_dma source(%dma_start3A_311 : memref<128x128xf32, #tpu.memory_space<vmem>>) target(%dma_start3A_307 : memref<128x128xf32, #tpu.memory_space<hbm>>) target_semaphore(%dma_start3A_305 : memref<!tpu.dma_semaphore, #tpu.memory_space<semaphore_mem>>)
            "tpu.trace_stop"() : () -> ()
          } else {
          }
          %and3A_248 = arith.constant true
          %and3A_249 = arith.andi %or3A_244, %and3A_248 : i1
          %add3A_250 = arith.constant 1 : i32
          %add3A_251 = arith.addi %while3A_145, %add3A_250 : i32
          %select_n3A_252 = arith.select %and3A_249, %add3A_251, %while3A_145 : i32
          %ne3A_253 = arith.cmpi ne, %add3A_155, %add3A_165 : i32
          %or3A_254 = arith.constant false
          %or3A_255 = arith.ori %or3A_254, %ne3A_253 : i1
          %not3A_256 = arith.constant true
          %not3A_257 = arith.xori %eq3A_151, %not3A_256 : i1
          %and3A_258 = arith.andi %or3A_255, %not3A_257 : i1
          %convert_element_type3A_259 = arith.extui %and3A_258 : i1 to i32
          %cond3A_260 = arith.constant 0 : i32
          %cond3A_261 = arith.cmpi ne, %convert_element_type3A_259, %cond3A_260 : i32
          scf.if %cond3A_261 {
          } else {
          }
          %and3A_262 = arith.constant false
          %and3A_263 = arith.andi %and3A_258, %and3A_262 : i1
          %ne3A_264 = arith.cmpi ne, %add3A_155, %add3A_165 : i32
          %or3A_265 = arith.constant false
          %or3A_266 = arith.ori %or3A_265, %ne3A_264 : i1
          %or3A_267 = arith.constant false
          %or3A_268 = arith.ori %or3A_266, %or3A_267 : i1
          %not3A_269 = arith.constant true
          %not3A_270 = arith.xori %eq3A_151, %not3A_269 : i1
          %and3A_271 = arith.andi %or3A_268, %not3A_270 : i1
          %convert_element_type3A_272 = arith.extui %and3A_271 : i1 to i32
          %cond3A_273 = arith.constant 0 : i32
          %cond3A_274 = arith.cmpi ne, %convert_element_type3A_272, %cond3A_273 : i32
          scf.if %cond3A_274 {
            "tpu.trace_start"() <{level = 10 : i32, message = "ep_wait_out"}> : () -> ()
            %rem3A_294 = arith.constant 2 : i32
            %rem3A_295 = arith.remui %while3A_146, %rem3A_294 : i32
            %mul3A_296 = arith.constant 128 : i32
            %mul3A_297 = arith.muli %mul3A_296, %add3A_165 : i32
            %dma_wait3A = arith.constant 0 : i32
            %dma_wait3A_298 = arith.constant 0 : i32
            %dma_wait3A_299 = tpu.memref_slice %run_scoped3A_18[%rem3A_295, %dma_wait3A, %dma_wait3A_298] : memref<2x128x128xf32, #tpu.memory_space<vmem>> -> memref<1x128x128xf32, #tpu.memory_space<vmem>>
            %dma_wait3A_300 = tpu.memref_squeeze %dma_wait3A_299 : memref<1x128x128xf32, #tpu.memory_space<vmem>> -> memref<128x128xf32, #tpu.memory_space<vmem>>
            %dma_wait3A_301 = arith.constant 0 : i32
            %dma_wait3A_302 = tpu.memref_slice %arg4[%mul3A_297, %dma_wait3A_301] : memref<4608x128xf32, #tpu.memory_space<hbm>> -> memref<128x128xf32, #tpu.memory_space<hbm>>
            %dma_wait3A_303 = tpu.memref_slice %run_scoped3A_19[%rem3A_295] : memref<2x!tpu.dma_semaphore, #tpu.memory_space<semaphore_mem>> -> memref<1x!tpu.dma_semaphore, #tpu.memory_space<semaphore_mem>>
            %dma_wait3A_304 = tpu.memref_squeeze %dma_wait3A_303 : memref<1x!tpu.dma_semaphore, #tpu.memory_space<semaphore_mem>> -> memref<!tpu.dma_semaphore, #tpu.memory_space<semaphore_mem>>
            %dma_wait3A_305 = arith.constant 0 : i32
            %dma_wait3A_306 = tpu.memref_slice %arg4[%mul3A_297, %dma_wait3A_305] : memref<4608x128xf32, #tpu.memory_space<hbm>> -> memref<128x128xf32, #tpu.memory_space<hbm>>
            %dma_wait3A_307 = arith.constant 0 : i32
            %dma_wait3A_308 = arith.constant 0 : i32
            %dma_wait3A_309 = tpu.memref_slice %run_scoped3A_18[%rem3A_295, %dma_wait3A_307, %dma_wait3A_308] : memref<2x128x128xf32, #tpu.memory_space<vmem>> -> memref<1x128x128xf32, #tpu.memory_space<vmem>>
            %dma_wait3A_310 = tpu.memref_squeeze %dma_wait3A_309 : memref<1x128x128xf32, #tpu.memory_space<vmem>> -> memref<128x128xf32, #tpu.memory_space<vmem>>
            tpu.wait_dma2 semaphore(%dma_wait3A_304 : memref<!tpu.dma_semaphore, #tpu.memory_space<semaphore_mem>>) src(%dma_wait3A_310 : memref<128x128xf32, #tpu.memory_space<vmem>>) dst(%dma_wait3A_306 : memref<128x128xf32, #tpu.memory_space<hbm>>)
            "tpu.trace_stop"() : () -> ()
          } else {
          }
          %and3A_275 = arith.constant true
          %and3A_276 = arith.andi %and3A_271, %and3A_275 : i1
          %add3A_277 = arith.constant 1 : i32
          %add3A_278 = arith.addi %while3A_146, %add3A_277 : i32
          %select_n3A_279 = arith.select %and3A_276, %add3A_278, %while3A_146 : i32
          %ne3A_280 = arith.cmpi ne, %add3A_155, %add3A_173 : i32
          %or3A_281 = arith.constant false
          %or3A_282 = arith.ori %or3A_281, %ne3A_280 : i1
          %or3A_283 = arith.ori %or3A_282, %eq3A_154 : i1
          %add3A_284 = arith.constant 1 : i32
          %add3A_285 = arith.addi %while3A_144, %add3A_284 : i32
          %select_n3A_286 = arith.select %or3A_283, %add3A_285, %while3A_144 : i32
          %add3A_287 = arith.constant 1 : i32
          %add3A_288 = arith.addi %while3A_147, %add3A_287 : i32
          %select_n3A_289 = arith.constant true
          %select_n3A_290 = arith.select %select_n3A_289, %add3A_288, %while3A_147 : i32
          %eq3A_291 = arith.cmpi eq, %select_n3A_290, %select_n3A : i32
          %select_n3A_292 = arith.constant 0 : i32
          %select_n3A_293 = arith.select %eq3A_291, %select_n3A_292, %select_n3A_290 : i32
          scf.yield %select_n3A_195, %select_n3A_286, %select_n3A_252, %select_n3A_279, %select_n3A_293 : i32, i32, i32, i32, i32
        }
        %while3A_89 = arith.constant 1 : i32
        %while3A_90:5 = scf.for %while3A_142 = %while3A_86 to %while3A_82 step %while3A_89 iter_args(%while3A_143 = %while3A_88#0, %while3A_144 = %while3A_88#1, %while3A_145 = %while3A_88#2, %while3A_146 = %while3A_88#3, %while3A_147 = %while3A_88#4) -> (i32, i32, i32, i32, i32)  : i32 {
          %mul3A_148 = arith.constant 1 : i32
          %mul3A_149 = arith.muli %mul3A_148, %select_n3A : i32
          %eq3A_150 = arith.constant 0 : i32
          %eq3A_151 = arith.cmpi eq, %while3A_142, %eq3A_150 : i32
          %sub3A_152 = arith.constant 1 : i32
          %sub3A_153 = arith.subi %mul3A_149, %sub3A_152 : i32
          %eq3A_154 = arith.cmpi eq, %while3A_142, %sub3A_153 : i32
          %add3A_155 = arith.addi %while3A_147, %select_n3A_14 : i32
          %sub3A_156 = arith.constant 1 : i32
          %sub3A_157 = arith.subi %while3A_147, %sub3A_156 : i32
          %select_n3A_158 = arith.constant true
          %select_n3A_159 = arith.select %select_n3A_158, %sub3A_157, %while3A_147 : i32
          %eq3A_160 = arith.constant -1 : i32
          %eq3A_161 = arith.cmpi eq, %select_n3A_159, %eq3A_160 : i32
          %sub3A_162 = arith.constant 1 : i32
          %sub3A_163 = arith.subi %select_n3A, %sub3A_162 : i32
          %select_n3A_164 = arith.select %eq3A_161, %sub3A_163, %select_n3A_159 : i32
          %add3A_165 = arith.addi %select_n3A_164, %select_n3A_14 : i32
          %add3A_166 = arith.constant 1 : i32
          %add3A_167 = arith.addi %while3A_147, %add3A_166 : i32
          %select_n3A_168 = arith.constant true
          %select_n3A_169 = arith.select %select_n3A_168, %add3A_167, %while3A_147 : i32
          %eq3A_170 = arith.cmpi eq, %select_n3A_169, %select_n3A : i32
          %select_n3A_171 = arith.constant 0 : i32
          %select_n3A_172 = arith.select %eq3A_170, %select_n3A_171, %select_n3A_169 : i32
          %add3A_173 = arith.addi %select_n3A_172, %select_n3A_14 : i32
          %add3A_174 = arith.constant 1 : i32
          %add3A_175 = arith.addi %select_n3A_172, %add3A_174 : i32
          %select_n3A_176 = arith.constant true
          %select_n3A_177 = arith.select %select_n3A_176, %add3A_175, %select_n3A_172 : i32
          %eq3A_178 = arith.cmpi eq, %select_n3A_177, %select_n3A : i32
          %select_n3A_179 = arith.constant 0 : i32
          %select_n3A_180 = arith.select %eq3A_178, %select_n3A_179, %select_n3A_177 : i32
          %add3A_181 = arith.addi %select_n3A_180, %select_n3A_14 : i32
          %ne3A = arith.cmpi ne, %add3A_155, %add3A_173 : i32
          %or3A = arith.constant false
          %or3A_182 = arith.ori %or3A, %ne3A : i1
          %sub3A_183 = arith.constant 2 : i32
          %sub3A_184 = arith.subi %mul3A_149, %sub3A_183 : i32
          %add3A_185 = arith.constant 1 : i32
          %add3A_186 = arith.addi %sub3A_184, %add3A_185 : i32
          %ge3A = arith.cmpi sge, %while3A_142, %add3A_186 : i32
          %not3A = arith.constant true
          %not3A_187 = arith.xori %ge3A, %not3A : i1
          %and3A = arith.andi %or3A_182, %not3A_187 : i1
          %convert_element_type3A_188 = arith.extui %and3A : i1 to i32
          %cond3A_189 = arith.constant 0 : i32
          %cond3A_190 = arith.cmpi ne, %convert_element_type3A_188, %cond3A_189 : i32
          scf.if %cond3A_190 {
            "tpu.trace_start"() <{level = 10 : i32, message = "ep_copy_in"}> : () -> ()
            %rem3A_294 = arith.constant 2 : i32
            %rem3A_295 = arith.remui %while3A_143, %rem3A_294 : i32
            %mul3A_296 = arith.constant 128 : i32
            %mul3A_297 = arith.muli %mul3A_296, %add3A_173 : i32
            %dma_start3A_298 = arith.constant 0 : i32
            %dma_start3A_299 = arith.constant 0 : i32
            %dma_start3A_300 = tpu.memref_slice %run_scoped3A[%rem3A_295, %dma_start3A_298, %dma_start3A_299] : memref<2x1x128xi32, #tpu.memory_space<vmem>> -> memref<1x1x128xi32, #tpu.memory_space<vmem>>
            %dma_start3A_301 = tpu.memref_squeeze %dma_start3A_300 : memref<1x1x128xi32, #tpu.memory_space<vmem>> -> memref<1x128xi32, #tpu.memory_space<vmem>>
            %dma_start3A_302 = arith.constant 0 : i32
            %dma_start3A_303 = tpu.memref_slice %arg3[%dma_start3A_302, %mul3A_297] : memref<1x4608xi32, #tpu.memory_space<hbm>> -> memref<1x128xi32, #tpu.memory_space<hbm>>
            %dma_start3A_304 = tpu.memref_slice %run_scoped3A_17[%rem3A_295] : memref<2x!tpu.dma_semaphore, #tpu.memory_space<semaphore_mem>> -> memref<1x!tpu.dma_semaphore, #tpu.memory_space<semaphore_mem>>
            %dma_start3A_305 = tpu.memref_squeeze %dma_start3A_304 : memref<1x!tpu.dma_semaphore, #tpu.memory_space<semaphore_mem>> -> memref<!tpu.dma_semaphore, #tpu.memory_space<semaphore_mem>>
            %dma_start3A_306 = arith.constant 0 : i32
            %dma_start3A_307 = arith.constant 0 : i32
            %dma_start3A_308 = tpu.memref_slice %run_scoped3A[%rem3A_295, %dma_start3A_306, %dma_start3A_307] : memref<2x1x128xi32, #tpu.memory_space<vmem>> -> memref<1x1x128xi32, #tpu.memory_space<vmem>>
            %dma_start3A_309 = tpu.memref_squeeze %dma_start3A_308 : memref<1x1x128xi32, #tpu.memory_space<vmem>> -> memref<1x128xi32, #tpu.memory_space<vmem>>
            %dma_start3A_310 = arith.constant 0 : i32
            %dma_start3A_311 = tpu.memref_slice %arg3[%dma_start3A_310, %mul3A_297] : memref<1x4608xi32, #tpu.memory_space<hbm>> -> memref<1x128xi32, #tpu.memory_space<hbm>>
            tpu.enqueue_dma source(%dma_start3A_311 : memref<1x128xi32, #tpu.memory_space<hbm>>) target(%dma_start3A_309 : memref<1x128xi32, #tpu.memory_space<vmem>>) target_semaphore(%dma_start3A_305 : memref<!tpu.dma_semaphore, #tpu.memory_space<semaphore_mem>>)
            "tpu.trace_stop"() : () -> ()
          } else {
          }
          %and3A_191 = arith.constant true
          %and3A_192 = arith.andi %and3A, %and3A_191 : i1
          %add3A_193 = arith.constant 1 : i32
          %add3A_194 = arith.addi %while3A_143, %add3A_193 : i32
          %select_n3A_195 = arith.select %and3A_192, %add3A_194, %while3A_143 : i32
          %ne3A_196 = arith.cmpi ne, %add3A_155, %add3A_173 : i32
          %or3A_197 = arith.constant false
          %or3A_198 = arith.ori %or3A_197, %ne3A_196 : i1
          %or3A_199 = arith.constant false
          %or3A_200 = arith.ori %or3A_198, %or3A_199 : i1
          %sub3A_201 = arith.constant 2 : i32
          %sub3A_202 = arith.subi %mul3A_149, %sub3A_201 : i32
          %add3A_203 = arith.constant 1 : i32
          %add3A_204 = arith.addi %sub3A_202, %add3A_203 : i32
          %ge3A_205 = arith.cmpi sge, %while3A_142, %add3A_204 : i32
          %not3A_206 = arith.constant true
          %not3A_207 = arith.xori %ge3A_205, %not3A_206 : i1
          %and3A_208 = arith.andi %or3A_200, %not3A_207 : i1
          %ne3A_209 = arith.cmpi ne, %add3A_155, %add3A_165 : i32
          %or3A_210 = arith.constant false
          %or3A_211 = arith.ori %or3A_210, %ne3A_209 : i1
          %or3A_212 = arith.ori %or3A_211, %eq3A_151 : i1
          %convert_element_type3A_213 = arith.extui %or3A_212 : i1 to i32
          %cond3A_214 = arith.constant 0 : i32
          %cond3A_215 = arith.cmpi ne, %convert_element_type3A_213, %cond3A_214 : i32
          scf.if %cond3A_215 {
            "tpu.trace_start"() <{level = 10 : i32, message = "ep_wait_in"}> : () -> ()
            %mul3A_294 = arith.constant 128 : i32
            %mul3A_295 = arith.muli %mul3A_294, %add3A_155 : i32
            %rem3A_296 = arith.constant 2 : i32
            %rem3A_297 = arith.remui %while3A_144, %rem3A_296 : i32
            %dma_wait3A = arith.constant 0 : i32
            %dma_wait3A_298 = arith.constant 0 : i32
            %dma_wait3A_299 = tpu.memref_slice %run_scoped3A[%rem3A_297, %dma_wait3A, %dma_wait3A_298] : memref<2x1x128xi32, #tpu.memory_space<vmem>> -> memref<1x1x128xi32, #tpu.memory_space<vmem>>
            %dma_wait3A_300 = tpu.memref_squeeze %dma_wait3A_299 : memref<1x1x128xi32, #tpu.memory_space<vmem>> -> memref<1x128xi32, #tpu.memory_space<vmem>>
            %dma_wait3A_301 = arith.constant 0 : i32
            %dma_wait3A_302 = tpu.memref_slice %arg3[%dma_wait3A_301, %mul3A_295] : memref<1x4608xi32, #tpu.memory_space<hbm>> -> memref<1x128xi32, #tpu.memory_space<hbm>>
            %dma_wait3A_303 = tpu.memref_slice %run_scoped3A_17[%rem3A_297] : memref<2x!tpu.dma_semaphore, #tpu.memory_space<semaphore_mem>> -> memref<1x!tpu.dma_semaphore, #tpu.memory_space<semaphore_mem>>
            %dma_wait3A_304 = tpu.memref_squeeze %dma_wait3A_303 : memref<1x!tpu.dma_semaphore, #tpu.memory_space<semaphore_mem>> -> memref<!tpu.dma_semaphore, #tpu.memory_space<semaphore_mem>>
            %dma_wait3A_305 = arith.constant 0 : i32
            %dma_wait3A_306 = arith.constant 0 : i32
            %dma_wait3A_307 = tpu.memref_slice %run_scoped3A[%rem3A_297, %dma_wait3A_305, %dma_wait3A_306] : memref<2x1x128xi32, #tpu.memory_space<vmem>> -> memref<1x1x128xi32, #tpu.memory_space<vmem>>
            %dma_wait3A_308 = tpu.memref_squeeze %dma_wait3A_307 : memref<1x1x128xi32, #tpu.memory_space<vmem>> -> memref<1x128xi32, #tpu.memory_space<vmem>>
            %dma_wait3A_309 = arith.constant 0 : i32
            %dma_wait3A_310 = tpu.memref_slice %arg3[%dma_wait3A_309, %mul3A_295] : memref<1x4608xi32, #tpu.memory_space<hbm>> -> memref<1x128xi32, #tpu.memory_space<hbm>>
            tpu.wait_dma2 semaphore(%dma_wait3A_304 : memref<!tpu.dma_semaphore, #tpu.memory_space<semaphore_mem>>) src(%dma_wait3A_310 : memref<1x128xi32, #tpu.memory_space<hbm>>) dst(%dma_wait3A_308 : memref<1x128xi32, #tpu.memory_space<vmem>>)
            "tpu.trace_stop"() : () -> ()
          } else {
          }
          %ne3A_216 = arith.cmpi ne, %add3A_155, %add3A_165 : i32
          %or3A_217 = arith.constant false
          %or3A_218 = arith.ori %or3A_217, %ne3A_216 : i1
          %or3A_219 = arith.constant false
          %or3A_220 = arith.ori %or3A_218, %or3A_219 : i1
          %or3A_221 = arith.ori %or3A_220, %eq3A_151 : i1
          %convert_element_type3A_222 = arith.extui %or3A_221 : i1 to i32
          %cond3A_223 = arith.constant 0 : i32
          %cond3A_224 = arith.cmpi ne, %convert_element_type3A_222, %cond3A_223 : i32
          scf.if %cond3A_224 {
          } else {
          }
          %rem3A_225 = arith.constant 2 : i32
          %rem3A_226 = arith.remui %while3A_144, %rem3A_225 : i32
          %rem3A_227 = arith.constant 2 : i32
          %rem3A_228 = arith.remui %while3A_145, %rem3A_227 : i32
          %run_scoped3A_229 = arith.constant 0 : i32
          "tpu.trace_start"() <{level = 10 : i32, message = "ep_run_kernel"}> : () -> ()
          "tpu.region"() ({
            %run_scoped3A_294 = tpu.sem_alloc : memref<!tpu.dma_semaphore, #tpu.memory_space<semaphore_mem>>
            %dma_start3A_295 = arith.constant 0 : i32
            %dma_start3A_296 = arith.constant 0 : i32
            %dma_start3A_297 = tpu.memref_slice %run_scoped3A_18[%rem3A_228, %dma_start3A_295, %dma_start3A_296] : memref<2x128x128xf32, #tpu.memory_space<vmem>> -> memref<1x128x128xf32, #tpu.memory_space<vmem>>
            %dma_start3A_298 = tpu.memref_squeeze %dma_start3A_297 : memref<1x128x128xf32, #tpu.memory_space<vmem>> -> memref<128x128xf32, #tpu.memory_space<vmem>>
            %dma_start3A_299 = arith.constant 0 : i32
            %dma_start3A_300 = arith.constant 0 : i32
            %dma_start3A_301 = tpu.memref_slice %run_scoped3A[%rem3A_226, %dma_start3A_299, %dma_start3A_300] : memref<2x1x128xi32, #tpu.memory_space<vmem>> -> memref<1x1x128xi32, #tpu.memory_space<vmem>>
            %dma_start3A_302 = tpu.memref_squeeze %dma_start3A_301 : memref<1x1x128xi32, #tpu.memory_space<vmem>> -> memref<1x128xi32, #tpu.memory_space<vmem>>
            %dma_start3A_303 = arith.constant 0 : i32
            %dma_start3A_304 = tpu.memref_slice %dma_start3A_302[%run_scoped3A_229, %dma_start3A_303] : memref<1x128xi32, #tpu.memory_space<vmem>> -> memref<1x128xi32, #tpu.memory_space<vmem>>
            %dma_start3A_305 = tpu.memref_squeeze %dma_start3A_304 : memref<1x128xi32, #tpu.memory_space<vmem>> -> memref<128xi32, #tpu.memory_space<vmem>>
            %dma_start3A_306 = arith.constant 0 : i32
            %dma_start3A_307 = arith.constant 0 : i32
            %dma_start3A_308 = tpu.memref_slice %arg2[%dma_start3A_306, %dma_start3A_307] : memref<8192x128xf32, #tpu.memory_space<hbm>> -> memref<8192x128xf32, #tpu.memory_space<hbm>>
            tpu.enqueue_indirect_dma source(%dma_start3A_308 : memref<8192x128xf32, #tpu.memory_space<hbm>>) target(%dma_start3A_298 : memref<128x128xf32, #tpu.memory_space<vmem>>) offsets(%dma_start3A_305 : memref<128xi32, #tpu.memory_space<vmem>>) semaphore(%run_scoped3A_294 : memref<!tpu.dma_semaphore, #tpu.memory_space<semaphore_mem>>)
            %dma_wait3A = arith.constant 0 : i32
            %dma_wait3A_309 = arith.constant 0 : i32
            %dma_wait3A_310 = tpu.memref_slice %run_scoped3A_18[%rem3A_228, %dma_wait3A, %dma_wait3A_309] : memref<2x128x128xf32, #tpu.memory_space<vmem>> -> memref<1x128x128xf32, #tpu.memory_space<vmem>>
            %dma_wait3A_311 = tpu.memref_squeeze %dma_wait3A_310 : memref<1x128x128xf32, #tpu.memory_space<vmem>> -> memref<128x128xf32, #tpu.memory_space<vmem>>
            %dma_wait3A_312 = arith.constant 0 : i32
            %dma_wait3A_313 = arith.constant 0 : i32
            %dma_wait3A_314 = tpu.memref_slice %run_scoped3A[%rem3A_226, %dma_wait3A_312, %dma_wait3A_313] : memref<2x1x128xi32, #tpu.memory_space<vmem>> -> memref<1x1x128xi32, #tpu.memory_space<vmem>>
            %dma_wait3A_315 = tpu.memref_squeeze %dma_wait3A_314 : memref<1x1x128xi32, #tpu.memory_space<vmem>> -> memref<1x128xi32, #tpu.memory_space<vmem>>
            %dma_wait3A_316 = arith.constant 0 : i32
            %dma_wait3A_317 = tpu.memref_slice %dma_wait3A_315[%run_scoped3A_229, %dma_wait3A_316] : memref<1x128xi32, #tpu.memory_space<vmem>> -> memref<1x128xi32, #tpu.memory_space<vmem>>
            %dma_wait3A_318 = tpu.memref_squeeze %dma_wait3A_317 : memref<1x128xi32, #tpu.memory_space<vmem>> -> memref<128xi32, #tpu.memory_space<vmem>>
            %dma_wait3A_319 = arith.constant 0 : i32
            %dma_wait3A_320 = arith.constant 0 : i32
            %dma_wait3A_321 = tpu.memref_slice %arg2[%dma_wait3A_319, %dma_wait3A_320] : memref<8192x128xf32, #tpu.memory_space<hbm>> -> memref<8192x128xf32, #tpu.memory_space<hbm>>
            tpu.wait_indirect_dma semaphore(%run_scoped3A_294 : memref<!tpu.dma_semaphore, #tpu.memory_space<semaphore_mem>>) src(%dma_wait3A_321 : memref<8192x128xf32, #tpu.memory_space<hbm>>) dst(%dma_wait3A_311 : memref<128x128xf32, #tpu.memory_space<vmem>>)
            tpu.yield
          }) : () -> ()
          "tpu.trace_stop"() : () -> ()
          %ne3A_230 = arith.cmpi ne, %add3A_155, %add3A_173 : i32
          %or3A_231 = arith.constant false
          %or3A_232 = arith.ori %or3A_231, %ne3A_230 : i1
          %or3A_233 = arith.ori %or3A_232, %eq3A_154 : i1
          %convert_element_type3A_234 = arith.extui %or3A_233 : i1 to i32
          %cond3A_235 = arith.constant 0 : i32
          %cond3A_236 = arith.cmpi ne, %convert_element_type3A_234, %cond3A_235 : i32
          scf.if %cond3A_236 {
          } else {
          }
          %and3A_237 = arith.constant false
          %and3A_238 = arith.andi %or3A_233, %and3A_237 : i1
          %ne3A_239 = arith.cmpi ne, %add3A_155, %add3A_173 : i32
          %or3A_240 = arith.constant false
          %or3A_241 = arith.ori %or3A_240, %ne3A_239 : i1
          %or3A_242 = arith.constant false
          %or3A_243 = arith.ori %or3A_241, %or3A_242 : i1
          %or3A_244 = arith.ori %or3A_243, %eq3A_154 : i1
          %convert_element_type3A_245 = arith.extui %or3A_244 : i1 to i32
          %cond3A_246 = arith.constant 0 : i32
          %cond3A_247 = arith.cmpi ne, %convert_element_type3A_245, %cond3A_246 : i32
          scf.if %cond3A_247 {
            "tpu.trace_start"() <{level = 10 : i32, message = "ep_copy_out"}> : () -> ()
            %rem3A_294 = arith.constant 2 : i32
            %rem3A_295 = arith.remui %while3A_145, %rem3A_294 : i32
            %mul3A_296 = arith.constant 128 : i32
            %mul3A_297 = arith.muli %mul3A_296, %add3A_155 : i32
            %dma_start3A_298 = arith.constant 0 : i32
            %dma_start3A_299 = arith.constant 0 : i32
            %dma_start3A_300 = tpu.memref_slice %run_scoped3A_18[%rem3A_295, %dma_start3A_298, %dma_start3A_299] : memref<2x128x128xf32, #tpu.memory_space<vmem>> -> memref<1x128x128xf32, #tpu.memory_space<vmem>>
            %dma_start3A_301 = tpu.memref_squeeze %dma_start3A_300 : memref<1x128x128xf32, #tpu.memory_space<vmem>> -> memref<128x128xf32, #tpu.memory_space<vmem>>
            %dma_start3A_302 = arith.constant 0 : i32
            %dma_start3A_303 = tpu.memref_slice %arg4[%mul3A_297, %dma_start3A_302] : memref<4608x128xf32, #tpu.memory_space<hbm>> -> memref<128x128xf32, #tpu.memory_space<hbm>>
            %dma_start3A_304 = tpu.memref_slice %run_scoped3A_19[%rem3A_295] : memref<2x!tpu.dma_semaphore, #tpu.memory_space<semaphore_mem>> -> memref<1x!tpu.dma_semaphore, #tpu.memory_space<semaphore_mem>>
            %dma_start3A_305 = tpu.memref_squeeze %dma_start3A_304 : memref<1x!tpu.dma_semaphore, #tpu.memory_space<semaphore_mem>> -> memref<!tpu.dma_semaphore, #tpu.memory_space<semaphore_mem>>
            %dma_start3A_306 = arith.constant 0 : i32
            %dma_start3A_307 = tpu.memref_slice %arg4[%mul3A_297, %dma_start3A_306] : memref<4608x128xf32, #tpu.memory_space<hbm>> -> memref<128x128xf32, #tpu.memory_space<hbm>>
            %dma_start3A_308 = arith.constant 0 : i32
            %dma_start3A_309 = arith.constant 0 : i32
            %dma_start3A_310 = tpu.memref_slice %run_scoped3A_18[%rem3A_295, %dma_start3A_308, %dma_start3A_309] : memref<2x128x128xf32, #tpu.memory_space<vmem>> -> memref<1x128x128xf32, #tpu.memory_space<vmem>>
            %dma_start3A_311 = tpu.memref_squeeze %dma_start3A_310 : memref<1x128x128xf32, #tpu.memory_space<vmem>> -> memref<128x128xf32, #tpu.memory_space<vmem>>
            tpu.enqueue_dma source(%dma_start3A_311 : memref<128x128xf32, #tpu.memory_space<vmem>>) target(%dma_start3A_307 : memref<128x128xf32, #tpu.memory_space<hbm>>) target_semaphore(%dma_start3A_305 : memref<!tpu.dma_semaphore, #tpu.memory_space<semaphore_mem>>)
            "tpu.trace_stop"() : () -> ()
          } else {
          }
          %and3A_248 = arith.constant true
          %and3A_249 = arith.andi %or3A_244, %and3A_248 : i1
          %add3A_250 = arith.constant 1 : i32
          %add3A_251 = arith.addi %while3A_145, %add3A_250 : i32
          %select_n3A_252 = arith.select %and3A_249, %add3A_251, %while3A_145 : i32
          %ne3A_253 = arith.cmpi ne, %add3A_155, %add3A_165 : i32
          %or3A_254 = arith.constant false
          %or3A_255 = arith.ori %or3A_254, %ne3A_253 : i1
          %not3A_256 = arith.constant true
          %not3A_257 = arith.xori %eq3A_151, %not3A_256 : i1
          %and3A_258 = arith.andi %or3A_255, %not3A_257 : i1
          %convert_element_type3A_259 = arith.extui %and3A_258 : i1 to i32
          %cond3A_260 = arith.constant 0 : i32
          %cond3A_261 = arith.cmpi ne, %convert_element_type3A_259, %cond3A_260 : i32
          scf.if %cond3A_261 {
          } else {
          }
          %and3A_262 = arith.constant false
          %and3A_263 = arith.andi %and3A_258, %and3A_262 : i1
          %ne3A_264 = arith.cmpi ne, %add3A_155, %add3A_165 : i32
          %or3A_265 = arith.constant false
          %or3A_266 = arith.ori %or3A_265, %ne3A_264 : i1
          %or3A_267 = arith.constant false
          %or3A_268 = arith.ori %or3A_266, %or3A_267 : i1
          %not3A_269 = arith.constant true
          %not3A_270 = arith.xori %eq3A_151, %not3A_269 : i1
          %and3A_271 = arith.andi %or3A_268, %not3A_270 : i1
          %convert_element_type3A_272 = arith.extui %and3A_271 : i1 to i32
          %cond3A_273 = arith.constant 0 : i32
          %cond3A_274 = arith.cmpi ne, %convert_element_type3A_272, %cond3A_273 : i32
          scf.if %cond3A_274 {
            "tpu.trace_start"() <{level = 10 : i32, message = "ep_wait_out"}> : () -> ()
            %rem3A_294 = arith.constant 2 : i32
            %rem3A_295 = arith.remui %while3A_146, %rem3A_294 : i32
            %mul3A_296 = arith.constant 128 : i32
            %mul3A_297 = arith.muli %mul3A_296, %add3A_165 : i32
            %dma_wait3A = arith.constant 0 : i32
            %dma_wait3A_298 = arith.constant 0 : i32
            %dma_wait3A_299 = tpu.memref_slice %run_scoped3A_18[%rem3A_295, %dma_wait3A, %dma_wait3A_298] : memref<2x128x128xf32, #tpu.memory_space<vmem>> -> memref<1x128x128xf32, #tpu.memory_space<vmem>>
            %dma_wait3A_300 = tpu.memref_squeeze %dma_wait3A_299 : memref<1x128x128xf32, #tpu.memory_space<vmem>> -> memref<128x128xf32, #tpu.memory_space<vmem>>
            %dma_wait3A_301 = arith.constant 0 : i32
            %dma_wait3A_302 = tpu.memref_slice %arg4[%mul3A_297, %dma_wait3A_301] : memref<4608x128xf32, #tpu.memory_space<hbm>> -> memref<128x128xf32, #tpu.memory_space<hbm>>
            %dma_wait3A_303 = tpu.memref_slice %run_scoped3A_19[%rem3A_295] : memref<2x!tpu.dma_semaphore, #tpu.memory_space<semaphore_mem>> -> memref<1x!tpu.dma_semaphore, #tpu.memory_space<semaphore_mem>>
            %dma_wait3A_304 = tpu.memref_squeeze %dma_wait3A_303 : memref<1x!tpu.dma_semaphore, #tpu.memory_space<semaphore_mem>> -> memref<!tpu.dma_semaphore, #tpu.memory_space<semaphore_mem>>
            %dma_wait3A_305 = arith.constant 0 : i32
            %dma_wait3A_306 = tpu.memref_slice %arg4[%mul3A_297, %dma_wait3A_305] : memref<4608x128xf32, #tpu.memory_space<hbm>> -> memref<128x128xf32, #tpu.memory_space<hbm>>
            %dma_wait3A_307 = arith.constant 0 : i32
            %dma_wait3A_308 = arith.constant 0 : i32
            %dma_wait3A_309 = tpu.memref_slice %run_scoped3A_18[%rem3A_295, %dma_wait3A_307, %dma_wait3A_308] : memref<2x128x128xf32, #tpu.memory_space<vmem>> -> memref<1x128x128xf32, #tpu.memory_space<vmem>>
            %dma_wait3A_310 = tpu.memref_squeeze %dma_wait3A_309 : memref<1x128x128xf32, #tpu.memory_space<vmem>> -> memref<128x128xf32, #tpu.memory_space<vmem>>
            tpu.wait_dma2 semaphore(%dma_wait3A_304 : memref<!tpu.dma_semaphore, #tpu.memory_space<semaphore_mem>>) src(%dma_wait3A_310 : memref<128x128xf32, #tpu.memory_space<vmem>>) dst(%dma_wait3A_306 : memref<128x128xf32, #tpu.memory_space<hbm>>)
            "tpu.trace_stop"() : () -> ()
          } else {
          }
          %and3A_275 = arith.constant true
          %and3A_276 = arith.andi %and3A_271, %and3A_275 : i1
          %add3A_277 = arith.constant 1 : i32
          %add3A_278 = arith.addi %while3A_146, %add3A_277 : i32
          %select_n3A_279 = arith.select %and3A_276, %add3A_278, %while3A_146 : i32
          %ne3A_280 = arith.cmpi ne, %add3A_155, %add3A_173 : i32
          %or3A_281 = arith.constant false
          %or3A_282 = arith.ori %or3A_281, %ne3A_280 : i1
          %or3A_283 = arith.ori %or3A_282, %eq3A_154 : i1
          %add3A_284 = arith.constant 1 : i32
          %add3A_285 = arith.addi %while3A_144, %add3A_284 : i32
          %select_n3A_286 = arith.select %or3A_283, %add3A_285, %while3A_144 : i32
          %add3A_287 = arith.constant 1 : i32
          %add3A_288 = arith.addi %while3A_147, %add3A_287 : i32
          %select_n3A_289 = arith.constant true
          %select_n3A_290 = arith.select %select_n3A_289, %add3A_288, %while3A_147 : i32
          %eq3A_291 = arith.cmpi eq, %select_n3A_290, %select_n3A : i32
          %select_n3A_292 = arith.constant 0 : i32
          %select_n3A_293 = arith.select %eq3A_291, %select_n3A_292, %select_n3A_290 : i32
          scf.yield %select_n3A_195, %select_n3A_286, %select_n3A_252, %select_n3A_279, %select_n3A_293 : i32, i32, i32, i32, i32
        }
        %sub3A_91 = arith.constant 1 : i32
        %sub3A_92 = arith.subi %while3A_90#4, %sub3A_91 : i32
        %select_n3A_93 = arith.constant true
        %select_n3A_94 = arith.select %select_n3A_93, %sub3A_92, %while3A_90#4 : i32
        %eq3A_95 = arith.constant -1 : i32
        %eq3A_96 = arith.cmpi eq, %select_n3A_94, %eq3A_95 : i32
        %sub3A_97 = arith.constant 1 : i32
        %sub3A_98 = arith.subi %select_n3A, %sub3A_97 : i32
        %select_n3A_99 = arith.select %eq3A_96, %sub3A_98, %select_n3A_94 : i32
        %sub3A_100 = arith.constant 1 : i32
        %sub3A_101 = arith.subi %mul3A_16, %sub3A_100 : i32
        %mul3A_102 = arith.constant 1 : i32
        %mul3A_103 = arith.muli %mul3A_102, %select_n3A : i32
        %eq3A_104 = arith.constant 0 : i32
        %eq3A_105 = arith.cmpi eq, %sub3A_101, %eq3A_104 : i32
        %sub3A_106 = arith.constant 1 : i32
        %sub3A_107 = arith.subi %mul3A_103, %sub3A_106 : i32
        %eq3A_108 = arith.cmpi eq, %sub3A_101, %sub3A_107 : i32
        %add3A_109 = arith.addi %select_n3A_99, %select_n3A_14 : i32
        %sub3A_110 = arith.constant 1 : i32
        %sub3A_111 = arith.subi %select_n3A_99, %sub3A_110 : i32
        %select_n3A_112 = arith.constant true
        %select_n3A_113 = arith.select %select_n3A_112, %sub3A_111, %select_n3A_99 : i32
        %eq3A_114 = arith.constant -1 : i32
        %eq3A_115 = arith.cmpi eq, %select_n3A_113, %eq3A_114 : i32
        %sub3A_116 = arith.constant 1 : i32
        %sub3A_117 = arith.subi %select_n3A, %sub3A_116 : i32
        %select_n3A_118 = arith.select %eq3A_115, %sub3A_117, %select_n3A_113 : i32
        %add3A_119 = arith.addi %select_n3A_118, %select_n3A_14 : i32
        %add3A_120 = arith.constant 1 : i32
        %add3A_121 = arith.addi %select_n3A_99, %add3A_120 : i32
        %select_n3A_122 = arith.constant true
        %select_n3A_123 = arith.select %select_n3A_122, %add3A_121, %select_n3A_99 : i32
        %eq3A_124 = arith.cmpi eq, %select_n3A_123, %select_n3A : i32
        %select_n3A_125 = arith.constant 0 : i32
        %select_n3A_126 = arith.select %eq3A_124, %select_n3A_125, %select_n3A_123 : i32
        %add3A_127 = arith.addi %select_n3A_126, %select_n3A_14 : i32
        %add3A_128 = arith.constant 1 : i32
        %add3A_129 = arith.addi %select_n3A_126, %add3A_128 : i32
        %select_n3A_130 = arith.constant true
        %select_n3A_131 = arith.select %select_n3A_130, %add3A_129, %select_n3A_126 : i32
        %eq3A_132 = arith.cmpi eq, %select_n3A_131, %select_n3A : i32
        %select_n3A_133 = arith.constant 0 : i32
        %select_n3A_134 = arith.select %eq3A_132, %select_n3A_133, %select_n3A_131 : i32
        %add3A_135 = arith.addi %select_n3A_134, %select_n3A_14 : i32
        %convert_element_type3A_136 = arith.extui %eq3A_108 : i1 to i32
        %cond3A_137 = arith.constant 0 : i32
        %cond3A_138 = arith.cmpi ne, %convert_element_type3A_136, %cond3A_137 : i32
        scf.if %cond3A_138 {
        } else {
        }
        %convert_element_type3A_139 = arith.extui %eq3A_108 : i1 to i32
        %cond3A_140 = arith.constant 0 : i32
        %cond3A_141 = arith.cmpi ne, %convert_element_type3A_139, %cond3A_140 : i32
        scf.if %cond3A_141 {
          "tpu.trace_start"() <{level = 10 : i32, message = "ep_finalize"}> : () -> ()
          %rem3A_142 = arith.constant 2 : i32
          %rem3A_143 = arith.remui %while3A_90#3, %rem3A_142 : i32
          %mul3A_144 = arith.constant 128 : i32
          %mul3A_145 = arith.muli %mul3A_144, %add3A_109 : i32
          %dma_wait3A = arith.constant 0 : i32
          %dma_wait3A_146 = arith.constant 0 : i32
          %dma_wait3A_147 = tpu.memref_slice %run_scoped3A_18[%rem3A_143, %dma_wait3A, %dma_wait3A_146] : memref<2x128x128xf32, #tpu.memory_space<vmem>> -> memref<1x128x128xf32, #tpu.memory_space<vmem>>
          %dma_wait3A_148 = tpu.memref_squeeze %dma_wait3A_147 : memref<1x128x128xf32, #tpu.memory_space<vmem>> -> memref<128x128xf32, #tpu.memory_space<vmem>>
          %dma_wait3A_149 = arith.constant 0 : i32
          %dma_wait3A_150 = tpu.memref_slice %arg4[%mul3A_145, %dma_wait3A_149] : memref<4608x128xf32, #tpu.memory_space<hbm>> -> memref<128x128xf32, #tpu.memory_space<hbm>>
          %dma_wait3A_151 = tpu.memref_slice %run_scoped3A_19[%rem3A_143] : memref<2x!tpu.dma_semaphore, #tpu.memory_space<semaphore_mem>> -> memref<1x!tpu.dma_semaphore, #tpu.memory_space<semaphore_mem>>
          %dma_wait3A_152 = tpu.memref_squeeze %dma_wait3A_151 : memref<1x!tpu.dma_semaphore, #tpu.memory_space<semaphore_mem>> -> memref<!tpu.dma_semaphore, #tpu.memory_space<semaphore_mem>>
          %dma_wait3A_153 = arith.constant 0 : i32
          %dma_wait3A_154 = tpu.memref_slice %arg4[%mul3A_145, %dma_wait3A_153] : memref<4608x128xf32, #tpu.memory_space<hbm>> -> memref<128x128xf32, #tpu.memory_space<hbm>>
          %dma_wait3A_155 = arith.constant 0 : i32
          %dma_wait3A_156 = arith.constant 0 : i32
          %dma_wait3A_157 = tpu.memref_slice %run_scoped3A_18[%rem3A_143, %dma_wait3A_155, %dma_wait3A_156] : memref<2x128x128xf32, #tpu.memory_space<vmem>> -> memref<1x128x128xf32, #tpu.memory_space<vmem>>
          %dma_wait3A_158 = tpu.memref_squeeze %dma_wait3A_157 : memref<1x128x128xf32, #tpu.memory_space<vmem>> -> memref<128x128xf32, #tpu.memory_space<vmem>>
          tpu.wait_dma2 semaphore(%dma_wait3A_152 : memref<!tpu.dma_semaphore, #tpu.memory_space<semaphore_mem>>) src(%dma_wait3A_158 : memref<128x128xf32, #tpu.memory_space<vmem>>) dst(%dma_wait3A_154 : memref<128x128xf32, #tpu.memory_space<hbm>>)
          "tpu.trace_stop"() : () -> ()
        } else {
        }
      } else {
      }
      tpu.yield
    }) : () -> ()
    return
  }
}

module attributes {stable_mosaic.version = 14 : i64} {
  func.func @_dist_argmin_kernel(%arg0: i32, %arg1: memref<1152x64xf32, #tpu.memory_space<vmem>>, %arg2: memref<64x8192xf32, #tpu.memory_space<vmem>>, %arg3: memref<1152x1xf32, #tpu.memory_space<vmem>>, %arg4: memref<1x8192xf32, #tpu.memory_space<vmem>>, %arg5: memref<1152x1xi32, #tpu.memory_space<vmem>>, %arg6: memref<1152x1xf32, #tpu.memory_space<vmem>>) attributes {dimension_semantics = [#tpu.dimension_semantics<parallel>], iteration_bounds = array<i64: 4>, scalar_prefetch = 0 : i64, scratch_operands = 0 : i64, tpu.core_type = #tpu.core_type<tc>, window_params = [{transform_indices = @transform_0, window_bounds = array<i64: 1152, 64>}, {pipeline_mode = #tpu.pipeline_mode<synchronous>, transform_indices = @transform_1, window_bounds = array<i64: 64, 8192>}, {transform_indices = @transform_2, window_bounds = array<i64: 1152, 1>}, {pipeline_mode = #tpu.pipeline_mode<synchronous>, transform_indices = @transform_3, window_bounds = array<i64: 1, 8192>}, {transform_indices = @transform_4, window_bounds = array<i64: 1152, 1>}, {transform_indices = @transform_5, window_bounds = array<i64: 1152, 1>}]} {
    %get3A = arith.constant 0 : index
    %get3A_0 = arith.constant 0 : index
    %get3A_1 = vector.load %arg1[%get3A, %get3A_0] : memref<1152x64xf32, #tpu.memory_space<vmem>>, vector<1152x64xf32>
    %get3A_2 = arith.constant 0 : index
    %get3A_3 = arith.constant 0 : index
    %get3A_4 = vector.load %arg3[%get3A_2, %get3A_3] : memref<1152x1xf32, #tpu.memory_space<vmem>>, vector<1152x1xf32>
    %get3A_5 = arith.constant 0 : index
    %get3A_6 = arith.constant 0 : index
    %get3A_7 = vector.load %arg2[%get3A_5, %get3A_6] : memref<64x8192xf32, #tpu.memory_space<vmem>>, vector<64x1024xf32>
    %dot_general3A = arith.constant dense<0.000000e+00> : vector<1152x1024xf32>
    %dot_general3A_8 = tpu.matmul %get3A_1, %get3A_7, %dot_general3A {dimension_numbers = #tpu.dot_dimension_numbers<[1], [0], [0], [1], [0, 0, 1, 1], [], []>, transpose_lhs_hint = false} : vector<1152x64xf32>, vector<64x1024xf32>, vector<1152x1024xf32> -> vector<1152x1024xf32>
    %get3A_9 = arith.constant 0 : index
    %get3A_10 = arith.constant 0 : index
    %get3A_11 = vector.load %arg4[%get3A_9, %get3A_10] : memref<1x8192xf32, #tpu.memory_space<vmem>>, vector<1x1024xf32>
    %add3A = vector.broadcast %get3A_4 : vector<1152x1xf32> to vector<1152x1024xf32>
    %add3A_12 = vector.broadcast %get3A_11 : vector<1x1024xf32> to vector<1152x1024xf32>
    %add3A_13 = arith.addf %add3A, %add3A_12 : vector<1152x1024xf32>
    %add3A_14 = arith.addf %add3A_13, %dot_general3A_8 : vector<1152x1024xf32>
    %iota3A = tpu.iota {dimensions = array<i32: 1>} : vector<1152x1024xi32>
    %add3A_15 = arith.constant 0 : i32
    %add3A_16 = vector.broadcast %add3A_15 : i32 to vector<1152x1024xi32>
    %add3A_17 = arith.addi %iota3A, %add3A_16 : vector<1152x1024xi32>
    %get3A_18 = arith.constant 0 : index
    %get3A_19 = arith.constant 1024 : index
    %get3A_20 = vector.load %arg2[%get3A_18, %get3A_19] : memref<64x8192xf32, #tpu.memory_space<vmem>>, vector<64x1024xf32>
    %dot_general3A_21 = arith.constant dense<0.000000e+00> : vector<1152x1024xf32>
    %dot_general3A_22 = tpu.matmul %get3A_1, %get3A_20, %dot_general3A_21 {dimension_numbers = #tpu.dot_dimension_numbers<[1], [0], [0], [1], [0, 0, 1, 1], [], []>, transpose_lhs_hint = false} : vector<1152x64xf32>, vector<64x1024xf32>, vector<1152x1024xf32> -> vector<1152x1024xf32>
    %get3A_23 = arith.constant 0 : index
    %get3A_24 = arith.constant 1024 : index
    %get3A_25 = vector.load %arg4[%get3A_23, %get3A_24] : memref<1x8192xf32, #tpu.memory_space<vmem>>, vector<1x1024xf32>
    %add3A_26 = vector.broadcast %get3A_4 : vector<1152x1xf32> to vector<1152x1024xf32>
    %add3A_27 = vector.broadcast %get3A_25 : vector<1x1024xf32> to vector<1152x1024xf32>
    %add3A_28 = arith.addf %add3A_26, %add3A_27 : vector<1152x1024xf32>
    %add3A_29 = arith.addf %add3A_28, %dot_general3A_22 : vector<1152x1024xf32>
    %iota3A_30 = tpu.iota {dimensions = array<i32: 1>} : vector<1152x1024xi32>
    %add3A_31 = arith.constant 1024 : i32
    %add3A_32 = vector.broadcast %add3A_31 : i32 to vector<1152x1024xi32>
    %add3A_33 = arith.addi %iota3A_30, %add3A_32 : vector<1152x1024xi32>
    %lt3A = arith.cmpf olt, %add3A_29, %add3A_14 : vector<1152x1024xf32>
    %select_n3A = arith.select %lt3A, %add3A_33, %add3A_17 : vector<1152x1024xi1>, vector<1152x1024xi32>
    %min3A = arith.minimumf %add3A_29, %add3A_14 : vector<1152x1024xf32>
    %get3A_34 = arith.constant 0 : index
    %get3A_35 = arith.constant 2048 : index
    %get3A_36 = vector.load %arg2[%get3A_34, %get3A_35] : memref<64x8192xf32, #tpu.memory_space<vmem>>, vector<64x1024xf32>
    %dot_general3A_37 = arith.constant dense<0.000000e+00> : vector<1152x1024xf32>
    %dot_general3A_38 = tpu.matmul %get3A_1, %get3A_36, %dot_general3A_37 {dimension_numbers = #tpu.dot_dimension_numbers<[1], [0], [0], [1], [0, 0, 1, 1], [], []>, transpose_lhs_hint = false} : vector<1152x64xf32>, vector<64x1024xf32>, vector<1152x1024xf32> -> vector<1152x1024xf32>
    %get3A_39 = arith.constant 0 : index
    %get3A_40 = arith.constant 2048 : index
    %get3A_41 = vector.load %arg4[%get3A_39, %get3A_40] : memref<1x8192xf32, #tpu.memory_space<vmem>>, vector<1x1024xf32>
    %add3A_42 = vector.broadcast %get3A_4 : vector<1152x1xf32> to vector<1152x1024xf32>
    %add3A_43 = vector.broadcast %get3A_41 : vector<1x1024xf32> to vector<1152x1024xf32>
    %add3A_44 = arith.addf %add3A_42, %add3A_43 : vector<1152x1024xf32>
    %add3A_45 = arith.addf %add3A_44, %dot_general3A_38 : vector<1152x1024xf32>
    %iota3A_46 = tpu.iota {dimensions = array<i32: 1>} : vector<1152x1024xi32>
    %add3A_47 = arith.constant 2048 : i32
    %add3A_48 = vector.broadcast %add3A_47 : i32 to vector<1152x1024xi32>
    %add3A_49 = arith.addi %iota3A_46, %add3A_48 : vector<1152x1024xi32>
    %lt3A_50 = arith.cmpf olt, %add3A_45, %min3A : vector<1152x1024xf32>
    %select_n3A_51 = arith.select %lt3A_50, %add3A_49, %select_n3A : vector<1152x1024xi1>, vector<1152x1024xi32>
    %min3A_52 = arith.minimumf %add3A_45, %min3A : vector<1152x1024xf32>
    %get3A_53 = arith.constant 0 : index
    %get3A_54 = arith.constant 3072 : index
    %get3A_55 = vector.load %arg2[%get3A_53, %get3A_54] : memref<64x8192xf32, #tpu.memory_space<vmem>>, vector<64x1024xf32>
    %dot_general3A_56 = arith.constant dense<0.000000e+00> : vector<1152x1024xf32>
    %dot_general3A_57 = tpu.matmul %get3A_1, %get3A_55, %dot_general3A_56 {dimension_numbers = #tpu.dot_dimension_numbers<[1], [0], [0], [1], [0, 0, 1, 1], [], []>, transpose_lhs_hint = false} : vector<1152x64xf32>, vector<64x1024xf32>, vector<1152x1024xf32> -> vector<1152x1024xf32>
    %get3A_58 = arith.constant 0 : index
    %get3A_59 = arith.constant 3072 : index
    %get3A_60 = vector.load %arg4[%get3A_58, %get3A_59] : memref<1x8192xf32, #tpu.memory_space<vmem>>, vector<1x1024xf32>
    %add3A_61 = vector.broadcast %get3A_4 : vector<1152x1xf32> to vector<1152x1024xf32>
    %add3A_62 = vector.broadcast %get3A_60 : vector<1x1024xf32> to vector<1152x1024xf32>
    %add3A_63 = arith.addf %add3A_61, %add3A_62 : vector<1152x1024xf32>
    %add3A_64 = arith.addf %add3A_63, %dot_general3A_57 : vector<1152x1024xf32>
    %iota3A_65 = tpu.iota {dimensions = array<i32: 1>} : vector<1152x1024xi32>
    %add3A_66 = arith.constant 3072 : i32
    %add3A_67 = vector.broadcast %add3A_66 : i32 to vector<1152x1024xi32>
    %add3A_68 = arith.addi %iota3A_65, %add3A_67 : vector<1152x1024xi32>
    %lt3A_69 = arith.cmpf olt, %add3A_64, %min3A_52 : vector<1152x1024xf32>
    %select_n3A_70 = arith.select %lt3A_69, %add3A_68, %select_n3A_51 : vector<1152x1024xi1>, vector<1152x1024xi32>
    %min3A_71 = arith.minimumf %add3A_64, %min3A_52 : vector<1152x1024xf32>
    %get3A_72 = arith.constant 0 : index
    %get3A_73 = arith.constant 4096 : index
    %get3A_74 = vector.load %arg2[%get3A_72, %get3A_73] : memref<64x8192xf32, #tpu.memory_space<vmem>>, vector<64x1024xf32>
    %dot_general3A_75 = arith.constant dense<0.000000e+00> : vector<1152x1024xf32>
    %dot_general3A_76 = tpu.matmul %get3A_1, %get3A_74, %dot_general3A_75 {dimension_numbers = #tpu.dot_dimension_numbers<[1], [0], [0], [1], [0, 0, 1, 1], [], []>, transpose_lhs_hint = false} : vector<1152x64xf32>, vector<64x1024xf32>, vector<1152x1024xf32> -> vector<1152x1024xf32>
    %get3A_77 = arith.constant 0 : index
    %get3A_78 = arith.constant 4096 : index
    %get3A_79 = vector.load %arg4[%get3A_77, %get3A_78] : memref<1x8192xf32, #tpu.memory_space<vmem>>, vector<1x1024xf32>
    %add3A_80 = vector.broadcast %get3A_4 : vector<1152x1xf32> to vector<1152x1024xf32>
    %add3A_81 = vector.broadcast %get3A_79 : vector<1x1024xf32> to vector<1152x1024xf32>
    %add3A_82 = arith.addf %add3A_80, %add3A_81 : vector<1152x1024xf32>
    %add3A_83 = arith.addf %add3A_82, %dot_general3A_76 : vector<1152x1024xf32>
    %iota3A_84 = tpu.iota {dimensions = array<i32: 1>} : vector<1152x1024xi32>
    %add3A_85 = arith.constant 4096 : i32
    %add3A_86 = vector.broadcast %add3A_85 : i32 to vector<1152x1024xi32>
    %add3A_87 = arith.addi %iota3A_84, %add3A_86 : vector<1152x1024xi32>
    %lt3A_88 = arith.cmpf olt, %add3A_83, %min3A_71 : vector<1152x1024xf32>
    %select_n3A_89 = arith.select %lt3A_88, %add3A_87, %select_n3A_70 : vector<1152x1024xi1>, vector<1152x1024xi32>
    %min3A_90 = arith.minimumf %add3A_83, %min3A_71 : vector<1152x1024xf32>
    %get3A_91 = arith.constant 0 : index
    %get3A_92 = arith.constant 5120 : index
    %get3A_93 = vector.load %arg2[%get3A_91, %get3A_92] : memref<64x8192xf32, #tpu.memory_space<vmem>>, vector<64x1024xf32>
    %dot_general3A_94 = arith.constant dense<0.000000e+00> : vector<1152x1024xf32>
    %dot_general3A_95 = tpu.matmul %get3A_1, %get3A_93, %dot_general3A_94 {dimension_numbers = #tpu.dot_dimension_numbers<[1], [0], [0], [1], [0, 0, 1, 1], [], []>, transpose_lhs_hint = false} : vector<1152x64xf32>, vector<64x1024xf32>, vector<1152x1024xf32> -> vector<1152x1024xf32>
    %get3A_96 = arith.constant 0 : index
    %get3A_97 = arith.constant 5120 : index
    %get3A_98 = vector.load %arg4[%get3A_96, %get3A_97] : memref<1x8192xf32, #tpu.memory_space<vmem>>, vector<1x1024xf32>
    %add3A_99 = vector.broadcast %get3A_4 : vector<1152x1xf32> to vector<1152x1024xf32>
    %add3A_100 = vector.broadcast %get3A_98 : vector<1x1024xf32> to vector<1152x1024xf32>
    %add3A_101 = arith.addf %add3A_99, %add3A_100 : vector<1152x1024xf32>
    %add3A_102 = arith.addf %add3A_101, %dot_general3A_95 : vector<1152x1024xf32>
    %iota3A_103 = tpu.iota {dimensions = array<i32: 1>} : vector<1152x1024xi32>
    %add3A_104 = arith.constant 5120 : i32
    %add3A_105 = vector.broadcast %add3A_104 : i32 to vector<1152x1024xi32>
    %add3A_106 = arith.addi %iota3A_103, %add3A_105 : vector<1152x1024xi32>
    %lt3A_107 = arith.cmpf olt, %add3A_102, %min3A_90 : vector<1152x1024xf32>
    %select_n3A_108 = arith.select %lt3A_107, %add3A_106, %select_n3A_89 : vector<1152x1024xi1>, vector<1152x1024xi32>
    %min3A_109 = arith.minimumf %add3A_102, %min3A_90 : vector<1152x1024xf32>
    %get3A_110 = arith.constant 0 : index
    %get3A_111 = arith.constant 6144 : index
    %get3A_112 = vector.load %arg2[%get3A_110, %get3A_111] : memref<64x8192xf32, #tpu.memory_space<vmem>>, vector<64x1024xf32>
    %dot_general3A_113 = arith.constant dense<0.000000e+00> : vector<1152x1024xf32>
    %dot_general3A_114 = tpu.matmul %get3A_1, %get3A_112, %dot_general3A_113 {dimension_numbers = #tpu.dot_dimension_numbers<[1], [0], [0], [1], [0, 0, 1, 1], [], []>, transpose_lhs_hint = false} : vector<1152x64xf32>, vector<64x1024xf32>, vector<1152x1024xf32> -> vector<1152x1024xf32>
    %get3A_115 = arith.constant 0 : index
    %get3A_116 = arith.constant 6144 : index
    %get3A_117 = vector.load %arg4[%get3A_115, %get3A_116] : memref<1x8192xf32, #tpu.memory_space<vmem>>, vector<1x1024xf32>
    %add3A_118 = vector.broadcast %get3A_4 : vector<1152x1xf32> to vector<1152x1024xf32>
    %add3A_119 = vector.broadcast %get3A_117 : vector<1x1024xf32> to vector<1152x1024xf32>
    %add3A_120 = arith.addf %add3A_118, %add3A_119 : vector<1152x1024xf32>
    %add3A_121 = arith.addf %add3A_120, %dot_general3A_114 : vector<1152x1024xf32>
    %iota3A_122 = tpu.iota {dimensions = array<i32: 1>} : vector<1152x1024xi32>
    %add3A_123 = arith.constant 6144 : i32
    %add3A_124 = vector.broadcast %add3A_123 : i32 to vector<1152x1024xi32>
    %add3A_125 = arith.addi %iota3A_122, %add3A_124 : vector<1152x1024xi32>
    %lt3A_126 = arith.cmpf olt, %add3A_121, %min3A_109 : vector<1152x1024xf32>
    %select_n3A_127 = arith.select %lt3A_126, %add3A_125, %select_n3A_108 : vector<1152x1024xi1>, vector<1152x1024xi32>
    %min3A_128 = arith.minimumf %add3A_121, %min3A_109 : vector<1152x1024xf32>
    %get3A_129 = arith.constant 0 : index
    %get3A_130 = arith.constant 7168 : index
    %get3A_131 = vector.load %arg2[%get3A_129, %get3A_130] : memref<64x8192xf32, #tpu.memory_space<vmem>>, vector<64x1024xf32>
    %dot_general3A_132 = arith.constant dense<0.000000e+00> : vector<1152x1024xf32>
    %dot_general3A_133 = tpu.matmul %get3A_1, %get3A_131, %dot_general3A_132 {dimension_numbers = #tpu.dot_dimension_numbers<[1], [0], [0], [1], [0, 0, 1, 1], [], []>, transpose_lhs_hint = false} : vector<1152x64xf32>, vector<64x1024xf32>, vector<1152x1024xf32> -> vector<1152x1024xf32>
    %get3A_134 = arith.constant 0 : index
    %get3A_135 = arith.constant 7168 : index
    %get3A_136 = vector.load %arg4[%get3A_134, %get3A_135] : memref<1x8192xf32, #tpu.memory_space<vmem>>, vector<1x1024xf32>
    %add3A_137 = vector.broadcast %get3A_4 : vector<1152x1xf32> to vector<1152x1024xf32>
    %add3A_138 = vector.broadcast %get3A_136 : vector<1x1024xf32> to vector<1152x1024xf32>
    %add3A_139 = arith.addf %add3A_137, %add3A_138 : vector<1152x1024xf32>
    %add3A_140 = arith.addf %add3A_139, %dot_general3A_133 : vector<1152x1024xf32>
    %iota3A_141 = tpu.iota {dimensions = array<i32: 1>} : vector<1152x1024xi32>
    %add3A_142 = arith.constant 7168 : i32
    %add3A_143 = vector.broadcast %add3A_142 : i32 to vector<1152x1024xi32>
    %add3A_144 = arith.addi %iota3A_141, %add3A_143 : vector<1152x1024xi32>
    %lt3A_145 = arith.cmpf olt, %add3A_140, %min3A_128 : vector<1152x1024xf32>
    %select_n3A_146 = arith.select %lt3A_145, %add3A_144, %select_n3A_127 : vector<1152x1024xi1>, vector<1152x1024xi32>
    %min3A_147 = arith.minimumf %add3A_140, %min3A_128 : vector<1152x1024xf32>
    %reduce_min3A = arith.constant dense<0x7F800000> : vector<1152xf32>
    %reduce_min3A_148 = vector.multi_reduction <minimumf>, %min3A_147, %reduce_min3A [1] : vector<1152x1024xf32> to vector<1152xf32>
    %broadcast_in_dim3A = vector.shape_cast %reduce_min3A_148 : vector<1152xf32> to vector<1152x1xf32>
    %eq3A = vector.broadcast %broadcast_in_dim3A : vector<1152x1xf32> to vector<1152x1024xf32>
    %eq3A_149 = arith.cmpf oeq, %min3A_147, %eq3A : vector<1152x1024xf32>
    %jit3A = arith.constant 8192 : i32
    %broadcast_in_dim3A_150 = vector.broadcast %jit3A : i32 to vector<1152x1024xi32>
    %select_n3A_151 = arith.select %eq3A_149, %select_n3A_146, %broadcast_in_dim3A_150 : vector<1152x1024xi1>, vector<1152x1024xi32>
    %reduce_min3A_152 = arith.constant dense<2147483647> : vector<1152xi32>
    %reduce_min3A_153 = vector.multi_reduction <minsi>, %select_n3A_151, %reduce_min3A_152 [1] : vector<1152x1024xi32> to vector<1152xi32>
    %broadcast_in_dim3A_154 = vector.shape_cast %reduce_min3A_153 : vector<1152xi32> to vector<1152x1xi32>
    %swap3A = arith.constant 0 : index
    %swap3A_155 = arith.constant 0 : index
    %swap3A_156 = vector.load %arg5[%swap3A, %swap3A_155] : memref<1152x1xi32, #tpu.memory_space<vmem>>, vector<1152x1xi32>
    tpu.vector_store %arg5[%swap3A, %swap3A_155], %broadcast_in_dim3A_154 {strides = array<i32>} : memref<1152x1xi32, #tpu.memory_space<vmem>>, vector<1152x1xi32>,
    %swap3A_157 = arith.constant 0 : index
    %swap3A_158 = arith.constant 0 : index
    %swap3A_159 = vector.load %arg6[%swap3A_157, %swap3A_158] : memref<1152x1xf32, #tpu.memory_space<vmem>>, vector<1152x1xf32>
    tpu.vector_store %arg6[%swap3A_157, %swap3A_158], %broadcast_in_dim3A {strides = array<i32>} : memref<1152x1xf32, #tpu.memory_space<vmem>>, vector<1152x1xf32>,
    return
  }
  func.func @transform_0(%arg0: i32) -> (i32, i32) {
    %c0_i32 = arith.constant 0 : i32
    %c0_i32_0 = arith.constant 0 : i32
    return %arg0, %c0_i32 : i32, i32
  }
  func.func @transform_1(%arg0: i32) -> (i32, i32) {
    %c0_i32 = arith.constant 0 : i32
    %c0_i32_0 = arith.constant 0 : i32
    %c0_i32_1 = arith.constant 0 : i32
    return %c0_i32, %c0_i32_0 : i32, i32
  }
  func.func @transform_2(%arg0: i32) -> (i32, i32) {
    %c0_i32 = arith.constant 0 : i32
    %c0_i32_0 = arith.constant 0 : i32
    return %arg0, %c0_i32 : i32, i32
  }
  func.func @transform_3(%arg0: i32) -> (i32, i32) {
    %c0_i32 = arith.constant 0 : i32
    %c0_i32_0 = arith.constant 0 : i32
    %c0_i32_1 = arith.constant 0 : i32
    return %c0_i32, %c0_i32_0 : i32, i32
  }
  func.func @transform_4(%arg0: i32) -> (i32, i32) {
    %c0_i32 = arith.constant 0 : i32
    %c0_i32_0 = arith.constant 0 : i32
    return %arg0, %c0_i32 : i32, i32
  }
  func.func @transform_5(%arg0: i32) -> (i32, i32) {
    %c0_i32 = arith.constant 0 : i32
    %c0_i32_0 = arith.constant 0 : i32
    return %arg0, %c0_i32 : i32, i32
  }
}

</mosaic_0001>

<sc_bundles>
// kernel: kernel.6.cloned.1.call-start
scs
__scs_entry_jumppad:
0x0: {  	(pc) =	sbr.rel $0x88, $3  }
0x1: {  	(tag) =	ssettag $0x0;
	lr =	simm.s32 $0x1  }
0x2: {  	[smem:$0x3F9F] =	sst lr;
	_ =	strace $0xD0000000  }
0x3: {  	_ = 	snop  }
0x4: {  	_ = 	snop  }
0x5: {  	_ = 	snop  }
0x6: {  	_ = 	snop  }
0x7: {  	_ = 	snop  }
__scs_overlays_trampoline_lowered:
0x8: {  	[smem:$0x3FAE] =	sst s0  }
0x9: {  	[smem:$0x3FAF] =	sst s1  }
0xa: {  	[smem:$0x3FB0] =	sst s2  }
0xb: {  	[smem:$0x3FB1] =	sst s3  }
0xc: {  	[smem:$0x3FB2] =	sst s4  }
0xd: {  	[smem:$0x3FB3] =	sst s5  }
0xe: {  	[smem:$0x3FB4] =	sst s6  }
0xf: {  	[smem:$0x3FB5] =	sst s7  }
0x10: {  	[smem:$0x3FB6] =	sst s8  }
0x11: {  	[smem:$0x3FB7] =	sst s9;
	s0 =	simm.s32 @!p0 $0x0  }
0x12: {  	s1 =	sld [smem:$0x3F9D];
	s0 =	simm.s32 @p0 $0x1  }
0x13: {  	[smem:$0x3FB8] =	sst s0;
	s0 =	simm.s32 @!p1 $0x0  }
0x14: {  	s2 =	sld [smem:$0x3F9C];
	s0 =	simm.s32 @p1 $0x1  }
0x15: {  	[smem:$0x3FB9] =	sst s0;
	s0 =	simm.s32 @!p2 $0x0  }
0x16: {  	s3 =	sld [smem:$0x3FDB];
	s0 =	simm.s32 @p2 $0x1  }
0x17: {  	s4 =	simm.s32 $0x1BF5;
	[smem:$0x3FBB] =	sst s0  }
0x18: {  	s0 =	sld [smem:$0x3F9E];
	_ =	swait.ge [sflag:s4], $0x0  }
0x19: {  	s7 =	sld [smem:$0x3F9F]  }
0x1a: {  	s8 =	sadd.s32 $0xFFFFE003, lr  }
0x1b: {  	s9 =	sadd.s32 $0xFFFFFEF7, lr;
	s5 =	simm.s32 $0xFFFFFFFF;
	p2 =	slt.u32 s8, $0xFFFFF086  }
0x1c: {  	p1 =	slt.u32 s9, $0xF7A;
	s5 =	simm.s32 @!p2 $0x0  }
0x1d: {  	s5 =	simm.s32 @p1 $0x1;
	p0 =	seq.s32 s7, s2  }
0x1e: {  	s7 =	smul.u32 @!p0 $0xF7A, s2;
	p2 =	seq.s32 @!p0 s5, $0x0  }
0x1f: {  	s9 =	smul.u32 $0xF7A, s1;
	s8 =	simm.s32 @!p0 $0x1BF5;
	p2 =	por !p2, p0  }
0x20: {  	[sflag:s8] =	ssyncset.s32 @!p0 $0xFFFFF086;
	s6 =	sadd.s32 @!p0 s3, s7;
	s7 =	simm.s32 @!p0 $0x108  }
0x21: {  	s3 =	sadd.s32 s3, s9;
	s6 =	sadd.s32 @!p0 $0x88, s6;
	s7 =	simm.s32 @p2 $0x1082  }
0x22: {  	[simem:s7], [sflag:s8] =	dma.local @!p0 [hbm:s6], $0xF7A  }
0x23: {  	s9 =	sor.u32 $0xD0000000, s2;
	s6 =	simm.s32 $0x108;
	_ =	swait.ge @!p0 [sflag:s8], $0x0  }
0x24: {  	s3 =	sadd.s32 $0x88, s3;
	s6 =	simm.s32 @!p1 $0x1082;
	[sflag:s4] =	ssyncset.s32 $0xFFFFF086  }
0x25: {  	[simem:s6], [sflag:s4] =	dma.local [hbm:s3], $0xF7A  }
0x26: {  	[smem:$0x3F9F] =	sst s1;
	(tag) =	ssettag s2;
	_ =	strace s9  }
0x27: {  	s1 =	sld [smem:$0x3FAF]  }
0x28: {  	s2 =	sld [smem:$0x3FB0]  }
0x29: {  	s4 =	sld [smem:$0x3FB2]  }
0x2a: {  	p0 =	seq.s32 s5, $0x0;
	s5 =	sld [smem:$0x3FB3]  }
0x2b: {  	s6 =	sld [smem:$0x3FB4]  }
0x2c: {  	s7 =	sld [smem:$0x3FB5]  }
0x2d: {  	s3 =	simm.s32 $0x108;
	s8 =	sld [smem:$0x3FB6]  }
0x2e: {  	s3 =	simm.s32 @!p0 $0x1082;
	s9 =	sld [smem:$0x3FB7]  }
0x2f: {  	lr =	sadd.s32 s0, s3;
	s0 =	sld [smem:$0x3FAE]  }
0x30: {  	s3 =	sld [smem:$0x3FB1]  }
0x31: {  	[smem:$0x3FBA] =	sst s10  }
0x32: {  	s10 =	sld [smem:$0x3FB8];
	_ =	sdelay $0x3  }
0x33: {  	p0 =	seq.s32 s10, $0x1;
	s10 =	sld [smem:$0x3FBA];
	_ =	sdelay $0x3  }
0x34: {  	[smem:$0x3FBA] =	sst s10  }
0x35: {  	s10 =	sld [smem:$0x3FB9];
	_ =	sdelay $0x3  }
0x36: {  	p1 =	seq.s32 s10, $0x1;
	s10 =	sld [smem:$0x3FBA];
	_ =	sdelay $0x3  }
0x37: {  	[smem:$0x3FBA] =	sst s10  }
0x38: {  	s10 =	sld [smem:$0x3FBB]  }
0x39: {  	_ = 	snop;
	(pc) =	sbr.ind lr, $3  }
0x3a: {  	_ = 	snop  }
0x3b: {  	_ = 	snop  }
0x3c: {  	p2 =	seq.s32 s10, $0x1;
	s10 =	sld [smem:$0x3FBA]  }
0x3d: {  	_ =	shalt  }
0x3e: {  	_ =	shalt  }
0x3f: {  	_ =	shalt  }
0x40: {  	_ =	shalt  }
0x41: {  	_ =	shalt  }
0x42: {  	_ =	shalt  }
0x43: {  	_ =	shalt  }
0x44: {  	_ =	shalt  }
0x45: {  	_ =	shalt  }
0x46: {  	_ =	shalt  }
0x47: {  	_ =	shalt  }
0x48: {  	_ =	shalt  }
0x49: {  	_ =	shalt  }
0x4a: {  	_ =	shalt  }
0x4b: {  	_ =	shalt  }
0x4c: {  	_ =	shalt  }
0x4d: {  	_ =	shalt  }
0x4e: {  	_ =	shalt  }
0x4f: {  	_ =	shalt  }
0x50: {  	_ =	shalt  }
0x51: {  	_ =	shalt  }
0x52: {  	_ =	shalt  }
0x53: {  	_ =	shalt  }
0x54: {  	_ =	shalt  }
0x55: {  	_ =	shalt  }
0x56: {  	_ =	shalt  }
0x57: {  	_ =	shalt  }
0x58: {  	_ =	shalt  }
0x59: {  	_ =	shalt  }
0x5a: {  	_ =	shalt  }
0x5b: {  	_ =	shalt  }
0x5c: {  	_ =	shalt  }
0x5d: {  	_ =	shalt  }
0x5e: {  	_ =	shalt  }
0x5f: {  	_ =	shalt  }
0x60: {  	_ =	shalt  }
0x61: {  	_ =	shalt  }
0x62: {  	_ =	shalt  }
0x63: {  	_ =	shalt  }
0x64: {  	_ =	shalt  }
0x65: {  	_ =	shalt  }
0x66: {  	_ =	shalt  }
0x67: {  	_ =	shalt  }
0x68: {  	_ =	shalt  }
0x69: {  	_ =	shalt  }
0x6a: {  	_ =	shalt  }
0x6b: {  	_ =	shalt  }
0x6c: {  	_ =	shalt  }
0x6d: {  	_ =	shalt  }
0x6e: {  	_ =	shalt  }
0x6f: {  	_ =	shalt  }
0x70: {  	_ =	shalt  }
0x71: {  	_ =	shalt  }
0x72: {  	_ =	shalt  }
0x73: {  	_ =	shalt  }
0x74: {  	_ =	shalt  }
0x75: {  	_ =	shalt  }
0x76: {  	_ =	shalt  }
0x77: {  	_ =	shalt  }
0x78: {  	_ =	shalt  }
0x79: {  	_ =	shalt  }
0x7a: {  	_ =	shalt  }
0x7b: {  	_ =	shalt  }
0x7c: {  	_ =	shalt  }
0x7d: {  	_ =	shalt  }
0x7e: {  	_ =	shalt  }
0x7f: {  	_ =	shalt  }
0x80: {  	_ =	shalt  }
0x81: {  	_ =	shalt  }
0x82: {  	_ =	shalt  }
0x83: {  	_ =	shalt  }
0x84: {  	_ =	shalt  }
0x85: {  	_ =	shalt  }
0x86: {  	_ =	shalt  }
0x87: {  	_ =	shalt  }
.Lfunc_end0:
.L_simem_size_0:
called_computation_lowered:
.L_overlay_start_0:
0x88: {  	s2 =	sld [smem:$0x3FD9]  }
0x89: {  	s3 =	sld [smem:$0x3FFE];
	_ =	sdelay $0x1  }
0x8a: {  	s1 =	srdreg.scid  }
0x8b: {  	s0 =	sand.u32 $0x1, s1  }
0x8c: {  	s16 =	sshll.u32 s0, $0xA;
	s2 =	sadd.s32 s3, s2  }
0x8d: {  	s2 =	sadd.s32 s2, s16  }
0x8e: {  	[smem:$0x3FC6] =	sst s2  }
0x8f: {  	_ = 	snop  }
0x90: {  	(tm) =	ssettm $0x1  }
0x91: {  	s17 =	sld [smem:$0x3FFB];
	_ =	sdelay $0x3  }
0x92: {  	_ =	strace s17  }
0x93: {  	s2 =	sld [smem:$0x3FFC];
	_ =	sdelay $0x3  }
0x94: {  	_ =	strace s2  }
0x95: {  	s2 =	sld [smem:$0x3FFD];
	_ =	sdelay $0x3  }
0x96: {  	_ =	strace s2  }
0x97: {  	_ =	strace $0x8FFFFFFF  }
0x98: {  	s18 =	sld [smem:$0x3FDB];
	_ =	sdelay $0x1  }
0x99: {  	s19 =	simm.s32 $_scs_section_size  }
0x9a: {  	s4 =	simm.s32 $_size__tile_overlayer_lowered;
	s5 =	simm.s32 $_tile_overlayer_lowered  }
0x9b: {  	s22 =	simm.s32 $0x1BFF;
	s21 =	sshll.u32 s5, $0x1;
	s2 =	sadd.s32 s19, s18  }
0x9c: {  	s6 =	simm.s32 $0x0;
	s20 =	sshll.u32 s4, $0x1;
	s4 =	sadd.s32 s21, s2  }
0x9d: {  	[timem:s6], [sflag:s22] =	dma.local [hbm:s4], s20  }
0x9e: {  	_ =	swait.ge [sflag:s22], s20  }
0x9f: {  	s3 =	ssub.s32 $0x0, s20;
	[sflag:s22] =	ssyncset.done $0x0  }
0xa0: {  	[sflag:s22] =	ssyncadd.s32 s3;
	_ =	sdelay $0x1  }
0xa1: {  	s23 =	simm.s32 $0x1B8B  }
0xa2: {  	_ =	swait.ge [sflag:s23], $0x1  }
0xa3: {  	[sflag:s23] =	ssyncset.done $0x0  }
0xa4: {  	s25 =	simm.s32 $0x1B8E;
	s24 =	sld [smem:$0x3FFE];
	[sflag:s23] =	ssyncadd.s32 $0xFFFFFFFF  }
0xa5: {  	s26 =	simm.s32 $execute0_lowered;
	[smem:$0x3FD2] =	sst s25  }
0xa6: {  	s4 =	sshll.u32 s26, $0x1;
	_ =	strace $0x80000046;
	[dreg:$0x1] =	wrdreg $0xFFFFFFFF  }
0xa7: {  	s28 =	simm.s32 $_size_execute0_lowered;
	s2 =	sadd.s32 s2, s4;
	[dreg:$0x0] =	wrdreg $0x0  }
0xa8: {  	s4 =	sshll.u32 s28, $0x1;
	[dreg:$0x2] =	wrdreg s2  }
0xa9: {  	[dreg:$0x3] =	wrdreg s4  }
0xaa: {  	[dreg:$0x4] =	wrdreg $0xC0  }
0xab: {  	_ =	task [dreg:s6], $0x5FFFF  }
0xac: {  	[dreg:$0x1] =	wrdreg $0xFFFFFFFF  }
0xad: {  	[dreg:$0x0] =	wrdreg $0x60  }
0xae: {  	[dreg:$0x2] =	wrdreg s24  }
0xaf: {  	[dreg:$0x3] =	wrdreg $0x9  }
0xb0: {  	_ =	task.clear_ibuf [dreg:s6], $0x4FFFF;
	_ =	strace $0x90000046  }
0xb1: {  	s29 =	simm.s32 $0x9;
	_ =	strace $0x8000004F  }
0xb2: {  	_ =	swait.ge [sflag:s29], $0x1  }
0xb3: {  	[sflag:s29] =	ssyncadd.s32 $0xFFFFFFFF  }
0xb4: {  	_ =	strace $0x9000004F  }
0xb5: {  	_ =	sfence  }
0xb6: {  	s30 =	sld [smem:$0x0];
	_ =	sdelay $0x2  }
0xb7: {  	s31 =	sshll.u32 s1, $0xD;
	s1 =	sshrl.u32 s1, $0x2  }
0xb8: {  	s3 =	sand.u32 $0x4000, s31;
	s1 =	sadd.s32 s1, s30  }
0xb9: {  	s0 =	sor.u32 s3, s0;
	s1 =	sshll.u32 s1, $0x11  }
0xba: {  	s0 =	sor.u32 s1, s0  }
0xbb: {  	s0 =	sadd.s32 $0x8F2B, s0  }
0xbc: {  	[sflag:s0] =	ssyncadd.remote.s32 $0x1  }
0xbd: {  	_ =	sfence.sel $0xFFFF  }
0xbe: {  	[dreg:$0x0] =	wrdreg $0xFFFFFFFF;
	(pc) =	sbr.abs _section_cstart, $3  }
0xbf: {  	[dreg:$0x1] =	wrdreg $0xFFFFFFFF  }
0xc0: {  	_ =	task.clear_ibuf [dreg:s6], $0x2FFFF;
	_ =	strace $0x9FFFFFFF  }
0xc1: {  	(tm) =	ssettm $0x7FFFFFFF  }
tec
execute0_lowered:
.L_overlay_start_1:
0x0: {  	(tag) =	ssettag $0x1  }
0x1: {  	s1 =	rddreg [dreg:$0x0]  }
0x2: {  	s0 =	rddreg [dreg:$0x1];
	s2 =	simm.s32 $0x0;
	s3 =	srdreg.scid  }
0x3: {  	s11 =	simm.s32 $0x80;
	s12 =	simm.s32 $0x5;
	s13 =	simm.s32 $0x0  }
0x4: {  	[smem:$0x7FF] =	sst s2;
	s6 =	sand.u32 $0x1, s3;
	s4 =	sadd.s32 $0x400, s1  }
0x5: {  	s3 =	stileid.u32;
	s5 =	sadd.s32 $0x20400, s1;
	s7 =	sshll.u32 s6, $0x4  }
0x6: {  	_ =	strace $0x80000047;
	s8 =	ssub.s32 $0x2, s6;
	s30 =	sor.u32 s3, s7  }
0x7: {  	p0 =	slt.u32 s30, $0x4;
	s9 =	sshll.u32 s30, $0x1;
	s6 =	sadd.s32 $0x4, s30  }
0x8: {  	s10 =	sshrl.u32 s8, $0x1;
	s7 =	simm.s32 $0x2;
	s6 =	smov.u32 @p0 s9  }
0x9: {  	s10 =	ssub.s32 s8, s10;
	s7 =	simm.s32 @!p0 $0x1;
	s31 =	sshll.u32 s6, $0x4  }
0xa: {  	s10 =	smax.u32 s10, $0x1;
	s9 =	sadd.s32 $0xFFFFFFFF, s7;
	s8 =	sadd.s32 s1, s31  }
.LBB2_1:
0xb: {  	_ =	strace $0x80000048;
	s20 =	simm.s32 $0x0  }
0xc: {  	s14 =	simm.s32 $0x0;
	s15 =	simm.s32 $0x0;
	s16 =	simm.s32 $0x0  }
0xd: {  	[tilespmem:s2], [sflag:$0x1] =	stream.linear.gather [hbm4b:s8+s2], $0x80, $0x200038;
	[tilespmem:$0x8100] =	vst v63  }
0xe: {  	s17 =	simm.s32 $0x1;
	s18 =	simm.s32 $0x0;
	_ =	strace $0x90000048  }
.LBB2_2:
0xf: {  	s19 =	sadd.s32 $0x1, s20  }
0x10: {  	p0 =	seq.s32 s19, s7  }
0x11: {  	s19 =	simm.s32 @p0 $0x0  }
0x12: {  	p3 =	slt.s32 s18, s9;
	p1 =	sne.s32 s20, s19  }
0x13: {  	p0 =	por !p3, !p1  }
0x14: {  	p0 =	por !p0, !p0  }
0x15: {  	s21 =	sadd.s32 @p0 s6, s19  }
0x16: {  	s22 =	sand.u32 @p0 $0x1, s17;
	s21 =	sshll.u32 @p0 s21, $0x4  }
0x17: {  	_ =	strace @p0 $0x80000049;
	s24 =	simm.s32 @p0 $0x0;
	s21 =	sand.u32 @p0 $0x1FFFFFF0, s21  }
0x18: {  	s23 =	sshll.u32 @p0 s22, $0x7;
	s22 =	sadd.s32 @p0 $0x1, s22;
	s21 =	sadd.s32 @p0 s1, s21  }
0x19: {  	[tilespmem:s23], [sflag:s22] =	stream.linear.gather @p0 [hbm4b:s21+s24], $0x80, $0x200038;
	[tilespmem:$0x8100] =	vst v63  }
0x1a: {  	p2 =	seq.s32 s18, $0x0;
	s21 =	sor.u32 s9, s20  }
0x1b: {  	p3 =	seq.s32 @!p2 s21, $0x0  }
0x1c: {  	p2 =	por p2, !p3  }
0x1d: {  	_ =	strace @p0 $0x90000049;
	s22 =	sand.u32 @p2 $0x1, s16  }
0x1e: {  	_ =	strace @p2 $0x8000004A;
	s22 =	sadd.s32 @p2 $0x1, s22  }
0x1f: {  	s31 =	sshll.u32 s16, $0x7;
	_ =	swait.ge @p2 [sflag:s22], $0x80  }
0x20: {  	p4 =	seq.s32 s9, s18;
	p6 =	sne.s32 s18, $0x0;
	[sflag:s22] =	ssyncset.done @p2 $0x0  }
0x21: {  	p1 =	por p4, p1;
	[sflag:s22] =	ssyncadd.s32 @p2 $0xFFFFFF80;
	s22 =	sand.u32 $0x1, s15  }
0x22: {  	s24 =	sand.u32 $0x80, s31;
	_ =	strace @p2 $0x9000004A;
	s30 =	sshll.u32 s22, $0xE  }
0x23: {  	s20 =	sadd.s32 s6, s20;
	_ =	strace $0x8000004B;
	s23 =	sor.u32 $0x100, s30  }
0x24: {  	[tilespmem:s23], [sflag:$0x5] =	stream.indirect.gather [hbm4b:s4+s11], $0x80, s24, s11, $0x2000b8;
	[tilespmem:$0x8100] =	vst v63  }
0x25: {  	p5 =	sne.s32 s21, $0x0;
	s20 =	sshll.u32 @p1 s20, $0xB;
	_ =	swait.ge [sflag:s12], $0x4000  }
0x26: {  	s21 =	simm.s32 $0x1;
	s20 =	sand.u32 @p1 $0x1FFFF800, s20;
	[sflag:s12] =	ssyncset.done $0x0  }
0x27: {  	s21 =	simm.s32 @!p0 $0x0;
	s20 =	sadd.s32 @p1 s5, s20;
	[sflag:s12] =	ssyncadd.s32 $0xFFFFC000  }
0x28: {  	p2 =	por !p6, !p5;
	s22 =	sadd.s32 @p1 $0x3, s22;
	_ =	strace $0x9000004B  }
0x29: {  	p0 =	por !p2, !p2;
	s24 =	simm.s32 @p1 $0x0;
	_ =	strace @p1 $0x8000004C  }
0x2a: {  	[hbm4b:s20+s24] =	stream.linear.scatter @p1 [tilespmem:s23], [sflag:s22], $0x4000, $0x200038;
	[tilespmem:$0x8100] =	vst v63  }
0x2b: {  	s18 =	sadd.s32 $0x1, s18;
	s20 =	simm.s32 $0x1;
	s22 =	sand.u32 @p0 $0x1, s14  }
0x2c: {  	_ =	strace @p1 $0x9000004C;
	s20 =	simm.s32 @!p1 $0x0;
	p1 =	sne.s32 s7, s18  }
.Ltmp0:
0x2d: {  	s22 =	sadd.s32 @p0 $0x3, s22;
	_ =	strace @p0 $0x8000004D;
	(pc) =	sbr.rel @p1 .LBB2_2-.Ltmp0, $4  }
0x2e: {  	s17 =	sadd.s32 s21, s17;
	s21 =	simm.s32 $0x1;
	_ =	swait.ge @p0 [sflag:s22], $0x4000  }
0x2f: {  	s21 =	simm.s32 @!p0 $0x0;
	[sflag:s22] =	ssyncset.done @p0 $0x0  }
0x30: {  	s14 =	sadd.s32 s21, s14;
	s15 =	sadd.s32 s20, s15;
	[sflag:s22] =	ssyncadd.s32 @p0 $0xFFFFC000  }
0x31: {  	s16 =	sadd.s32 s20, s16;
	s20 =	smov.u32 s19;
	_ =	strace @p0 $0x9000004D  }
0x32: {  	s13 =	sadd.s32 $0x1, s13  }
0x33: {  	s14 =	sand.u32 $0x1, s14;
	p0 =	sne.s32 s13, s10  }
.Ltmp1:
0x34: {  	_ =	strace $0x8000004E;
	s14 =	sadd.s32 $0x3, s14;
	(pc) =	sbr.rel @p0 .LBB2_1-.Ltmp1, $4  }
0x35: {  	_ =	swait.ge [sflag:s14], $0x4000  }
0x36: {  	[sflag:s14] =	ssyncset.done $0x0  }
0x37: {  	[sflag:s14] =	ssyncadd.s32 $0xFFFFC000  }
0x38: {  	_ =	strace $0x9000004E  }
0x39: {  	_ =	sfence.sel $0x180000  }
0x3a: {  	[bflag:$0x0] =	sbarrier.arrive $0xFFFF  }
0x3b: {  	p0 =	sne.s32 s3, $0x0;
	_ =	strace $0x90000047  }
0x3c: {  	s0 =	sadd.s32 @!p0 $0x100000, s0;
	[bflag:$0x2] =	sbarrier.arrive $0xFFFF  }
0x3d: {  	[sflag:s0] =	ssyncadd.tile.s32 @!p0 $0x1;
	_ =	shalt  }
.Lfunc_end2:
_tile_overlayer_lowered:
.L_overlay_start_2:
0x3e: {  	(tag) =	ssettag $0x2  }
0x3f: {  	s0 =	rddreg [dreg:$0x0];
	s2 =	stileid.u32  }
0x40: {  	s1 =	rddreg [dreg:$0x1];
	p0 =	sne.s32 s2, $0x0  }
0x41: {  	s3 =	rddreg [dreg:$0x2];
	[bflag:$0x3] =	sbarrier.arrive $0xFFFF;
	s2 =	simm.s32 @!p0 $0x1C01  }
0x42: {  	[timem:s3], [sflag:s2] =	dma.local @!p0 [hbm:s0], s1  }
0x43: {  	s0 =	simm.s32 @!p0 $0x1  }
0x44: {  	_ =	swait.ge @!p0 [sflag:s0], s1  }
0x45: {  	s1 =	ssub.s32 @!p0 $0x0, s1;
	[sflag:s0] =	ssyncset.done @!p0 $0x0  }
0x46: {  	[sflag:s0] =	ssyncadd.s32 @!p0 s1  }
0x47: {  	[bflag:$0x3] =	sbarrier.arrive $0xFFFF  }
0x48: {  	_ =	shalt  }

// kernel: kernel.9.cloned.1.call-start
scs
__scs_entry_jumppad:
0x0: {  	(pc) =	sbr.rel $0x88, $3  }
0x1: {  	(tag) =	ssettag $0x0;
	lr =	simm.s32 $0x1  }
0x2: {  	[smem:$0x3F9F] =	sst lr;
	_ =	strace $0xD0000000  }
0x3: {  	_ = 	snop  }
0x4: {  	_ = 	snop  }
0x5: {  	_ = 	snop  }
0x6: {  	_ = 	snop  }
0x7: {  	_ = 	snop  }
__scs_overlays_trampoline_lowered:
0x8: {  	[smem:$0x3FAE] =	sst s0  }
0x9: {  	[smem:$0x3FAF] =	sst s1  }
0xa: {  	[smem:$0x3FB0] =	sst s2  }
0xb: {  	[smem:$0x3FB1] =	sst s3  }
0xc: {  	[smem:$0x3FB2] =	sst s4  }
0xd: {  	[smem:$0x3FB3] =	sst s5  }
0xe: {  	[smem:$0x3FB4] =	sst s6  }
0xf: {  	[smem:$0x3FB5] =	sst s7  }
0x10: {  	[smem:$0x3FB6] =	sst s8  }
0x11: {  	[smem:$0x3FB7] =	sst s9;
	s0 =	simm.s32 @!p0 $0x0  }
0x12: {  	s1 =	sld [smem:$0x3F9D];
	s0 =	simm.s32 @p0 $0x1  }
0x13: {  	[smem:$0x3FB8] =	sst s0;
	s0 =	simm.s32 @!p1 $0x0  }
0x14: {  	s2 =	sld [smem:$0x3F9C];
	s0 =	simm.s32 @p1 $0x1  }
0x15: {  	[smem:$0x3FB9] =	sst s0;
	s0 =	simm.s32 @!p2 $0x0  }
0x16: {  	s3 =	sld [smem:$0x3FDB];
	s0 =	simm.s32 @p2 $0x1  }
0x17: {  	s4 =	simm.s32 $0x1BF5;
	[smem:$0x3FBB] =	sst s0  }
0x18: {  	s0 =	sld [smem:$0x3F9E];
	_ =	swait.ge [sflag:s4], $0x0  }
0x19: {  	s7 =	sld [smem:$0x3F9F]  }
0x1a: {  	s8 =	sadd.s32 $0xFFFFE003, lr  }
0x1b: {  	s9 =	sadd.s32 $0xFFFFFEF7, lr;
	s5 =	simm.s32 $0xFFFFFFFF;
	p2 =	slt.u32 s8, $0xFFFFF086  }
0x1c: {  	p1 =	slt.u32 s9, $0xF7A;
	s5 =	simm.s32 @!p2 $0x0  }
0x1d: {  	s5 =	simm.s32 @p1 $0x1;
	p0 =	seq.s32 s7, s2  }
0x1e: {  	s7 =	smul.u32 @!p0 $0xF7A, s2;
	p2 =	seq.s32 @!p0 s5, $0x0  }
0x1f: {  	s9 =	smul.u32 $0xF7A, s1;
	s8 =	simm.s32 @!p0 $0x1BF5;
	p2 =	por !p2, p0  }
0x20: {  	[sflag:s8] =	ssyncset.s32 @!p0 $0xFFFFF086;
	s6 =	sadd.s32 @!p0 s3, s7;
	s7 =	simm.s32 @!p0 $0x108  }
0x21: {  	s3 =	sadd.s32 s3, s9;
	s6 =	sadd.s32 @!p0 $0x88, s6;
	s7 =	simm.s32 @p2 $0x1082  }
0x22: {  	[simem:s7], [sflag:s8] =	dma.local @!p0 [hbm:s6], $0xF7A  }
0x23: {  	s9 =	sor.u32 $0xD0000000, s2;
	s6 =	simm.s32 $0x108;
	_ =	swait.ge @!p0 [sflag:s8], $0x0  }
0x24: {  	s3 =	sadd.s32 $0x88, s3;
	s6 =	simm.s32 @!p1 $0x1082;
	[sflag:s4] =	ssyncset.s32 $0xFFFFF086  }
0x25: {  	[simem:s6], [sflag:s4] =	dma.local [hbm:s3], $0xF7A  }
0x26: {  	[smem:$0x3F9F] =	sst s1;
	(tag) =	ssettag s2;
	_ =	strace s9  }
0x27: {  	s1 =	sld [smem:$0x3FAF]  }
0x28: {  	s2 =	sld [smem:$0x3FB0]  }
0x29: {  	s4 =	sld [smem:$0x3FB2]  }
0x2a: {  	p0 =	seq.s32 s5, $0x0;
	s5 =	sld [smem:$0x3FB3]  }
0x2b: {  	s6 =	sld [smem:$0x3FB4]  }
0x2c: {  	s7 =	sld [smem:$0x3FB5]  }
0x2d: {  	s3 =	simm.s32 $0x108;
	s8 =	sld [smem:$0x3FB6]  }
0x2e: {  	s3 =	simm.s32 @!p0 $0x1082;
	s9 =	sld [smem:$0x3FB7]  }
0x2f: {  	lr =	sadd.s32 s0, s3;
	s0 =	sld [smem:$0x3FAE]  }
0x30: {  	s3 =	sld [smem:$0x3FB1]  }
0x31: {  	[smem:$0x3FBA] =	sst s10  }
0x32: {  	s10 =	sld [smem:$0x3FB8];
	_ =	sdelay $0x3  }
0x33: {  	p0 =	seq.s32 s10, $0x1;
	s10 =	sld [smem:$0x3FBA];
	_ =	sdelay $0x3  }
0x34: {  	[smem:$0x3FBA] =	sst s10  }
0x35: {  	s10 =	sld [smem:$0x3FB9];
	_ =	sdelay $0x3  }
0x36: {  	p1 =	seq.s32 s10, $0x1;
	s10 =	sld [smem:$0x3FBA];
	_ =	sdelay $0x3  }
0x37: {  	[smem:$0x3FBA] =	sst s10  }
0x38: {  	s10 =	sld [smem:$0x3FBB]  }
0x39: {  	_ = 	snop;
	(pc) =	sbr.ind lr, $3  }
0x3a: {  	_ = 	snop  }
0x3b: {  	_ = 	snop  }
0x3c: {  	p2 =	seq.s32 s10, $0x1;
	s10 =	sld [smem:$0x3FBA]  }
0x3d: {  	_ =	shalt  }
0x3e: {  	_ =	shalt  }
0x3f: {  	_ =	shalt  }
0x40: {  	_ =	shalt  }
0x41: {  	_ =	shalt  }
0x42: {  	_ =	shalt  }
0x43: {  	_ =	shalt  }
0x44: {  	_ =	shalt  }
0x45: {  	_ =	shalt  }
0x46: {  	_ =	shalt  }
0x47: {  	_ =	shalt  }
0x48: {  	_ =	shalt  }
0x49: {  	_ =	shalt  }
0x4a: {  	_ =	shalt  }
0x4b: {  	_ =	shalt  }
0x4c: {  	_ =	shalt  }
0x4d: {  	_ =	shalt  }
0x4e: {  	_ =	shalt  }
0x4f: {  	_ =	shalt  }
0x50: {  	_ =	shalt  }
0x51: {  	_ =	shalt  }
0x52: {  	_ =	shalt  }
0x53: {  	_ =	shalt  }
0x54: {  	_ =	shalt  }
0x55: {  	_ =	shalt  }
0x56: {  	_ =	shalt  }
0x57: {  	_ =	shalt  }
0x58: {  	_ =	shalt  }
0x59: {  	_ =	shalt  }
0x5a: {  	_ =	shalt  }
0x5b: {  	_ =	shalt  }
0x5c: {  	_ =	shalt  }
0x5d: {  	_ =	shalt  }
0x5e: {  	_ =	shalt  }
0x5f: {  	_ =	shalt  }
0x60: {  	_ =	shalt  }
0x61: {  	_ =	shalt  }
0x62: {  	_ =	shalt  }
0x63: {  	_ =	shalt  }
0x64: {  	_ =	shalt  }
0x65: {  	_ =	shalt  }
0x66: {  	_ =	shalt  }
0x67: {  	_ =	shalt  }
0x68: {  	_ =	shalt  }
0x69: {  	_ =	shalt  }
0x6a: {  	_ =	shalt  }
0x6b: {  	_ =	shalt  }
0x6c: {  	_ =	shalt  }
0x6d: {  	_ =	shalt  }
0x6e: {  	_ =	shalt  }
0x6f: {  	_ =	shalt  }
0x70: {  	_ =	shalt  }
0x71: {  	_ =	shalt  }
0x72: {  	_ =	shalt  }
0x73: {  	_ =	shalt  }
0x74: {  	_ =	shalt  }
0x75: {  	_ =	shalt  }
0x76: {  	_ =	shalt  }
0x77: {  	_ =	shalt  }
0x78: {  	_ =	shalt  }
0x79: {  	_ =	shalt  }
0x7a: {  	_ =	shalt  }
0x7b: {  	_ =	shalt  }
0x7c: {  	_ =	shalt  }
0x7d: {  	_ =	shalt  }
0x7e: {  	_ =	shalt  }
0x7f: {  	_ =	shalt  }
0x80: {  	_ =	shalt  }
0x81: {  	_ =	shalt  }
0x82: {  	_ =	shalt  }
0x83: {  	_ =	shalt  }
0x84: {  	_ =	shalt  }
0x85: {  	_ =	shalt  }
0x86: {  	_ =	shalt  }
0x87: {  	_ =	shalt  }
.Lfunc_end0:
.L_simem_size_0:
called_computation.1_lowered:
.L_overlay_start_0:
0x88: {  	s2 =	sld [smem:$0x3FD9]  }
0x89: {  	s3 =	sld [smem:$0x3FFE];
	_ =	sdelay $0x1  }
0x8a: {  	s1 =	srdreg.scid  }
0x8b: {  	s0 =	sand.u32 $0x1, s1  }
0x8c: {  	s15 =	sshll.u32 s0, $0xA;
	s2 =	sadd.s32 s3, s2  }
0x8d: {  	s2 =	sadd.s32 s2, s15  }
0x8e: {  	[smem:$0x3FC6] =	sst s2  }
0x8f: {  	_ = 	snop  }
0x90: {  	s2 =	sld [smem:$0x3FD0];
	_ =	sdelay $0x2  }
0x91: {  	s16 =	simm.s32 $0xB;
	s4 =	simm.s32 $0x10  }
0x92: {  	[smem:s4], [sflag:s16] =	dma.local [hbm:s2], $0x1  }
0x93: {  	_ =	swait.eq [sflag:s16], $0x1  }
0x94: {  	[sflag:s16] =	ssyncset.done $0x0  }
0x95: {  	[sflag:s16] =	ssyncadd.s32 $0xFFFFFFFF  }
0x96: {  	s17 =	sld [smem:$0x10];
	(tm) =	ssettm $0x1  }
0x97: {  	s18 =	sld [smem:$0x3FFB];
	_ =	sdelay $0x3  }
0x98: {  	_ =	strace s18  }
0x99: {  	s2 =	sld [smem:$0x3FFC];
	_ =	sdelay $0x3  }
0x9a: {  	_ =	strace s2  }
0x9b: {  	s2 =	sld [smem:$0x3FFD];
	_ =	sdelay $0x3  }
0x9c: {  	_ =	strace s2  }
0x9d: {  	_ =	strace $0x8FFFFFFF  }
0x9e: {  	s19 =	sld [smem:$0x3FDB];
	_ =	sdelay $0x1  }
0x9f: {  	s20 =	simm.s32 $_scs_section_size  }
0xa0: {  	s5 =	simm.s32 $_size__tile_overlayer_lowered;
	s6 =	simm.s32 $_tile_overlayer_lowered  }
0xa1: {  	s7 =	simm.s32 $0x1BFF;
	s21 =	sshll.u32 s6, $0x1;
	s4 =	sadd.s32 s20, s19  }
0xa2: {  	s22 =	simm.s32 $0x0;
	s5 =	sshll.u32 s5, $0x1;
	s6 =	sadd.s32 s21, s4  }
0xa3: {  	[timem:s22], [sflag:s7] =	dma.local [hbm:s6], s5  }
0xa4: {  	_ =	swait.ge [sflag:s7], s5  }
0xa5: {  	s5 =	ssub.s32 $0x0, s5;
	[sflag:s7] =	ssyncset.done $0x0  }
0xa6: {  	[sflag:s7] =	ssyncadd.s32 s5;
	_ =	sdelay $0x1  }
0xa7: {  	s23 =	simm.s32 $0x1B8B  }
0xa8: {  	_ =	swait.ge [sflag:s23], $0x1  }
0xa9: {  	[sflag:s23] =	ssyncset.done $0x0  }
0xaa: {  	[sflag:s23] =	ssyncadd.s32 $0xFFFFFFFF  }
0xab: {  	s5 =	sld [smem:$0x0]  }
0xac: {  	s6 =	sand.u32 $0xFFFFFFFE, s1  }
0xad: {  	p0 =	sne.s32 s1, s6  }
0xae: {  	s6 =	sshll.u32 @p0 s6, $0xE  }
0xaf: {  	s6 =	sadd.s32 @p0 $0x11B8D, s6;
	s7 =	sshll.u32 @p0 s5, $0x11  }
0xb0: {  	s6 =	sor.u32 @p0 s7, s6  }
0xb1: {  	[sflag:s6] =	ssyncadd.remote.s32 @p0 $0x1;
	_ =	sdelay $0x1  }
0xb2: {  	s6 =	simm.s32 @p0 $0x1B8D  }
0xb3: {  	_ =	swait.eq @p0 [sflag:s6], $0x1  }
0xb4: {  	[sflag:s6] =	ssyncadd.s32 @p0 $0xFFFFFFFF  }
0xb5: {  	s7 =	sshll.u32 @!p0 s1, $0xE  }
0xb6: {  	s7 =	sor.u32 @!p0 $0x4000, s7;
	s6 =	simm.s32 @!p0 $0x1B8D  }
0xb7: {  	s5 =	sshll.u32 @!p0 s5, $0x11;
	s7 =	sadd.s32 @!p0 $0x11B8D, s7;
	_ =	swait.eq @!p0 [sflag:s6], $0x1  }
0xb8: {  	s5 =	sor.u32 @!p0 s5, s7;
	[sflag:s6] =	ssyncadd.s32 @!p0 $0xFFFFFFFF  }
0xb9: {  	s25 =	simm.s32 $0x1B8E;
	s24 =	sld [smem:$0x3FFE];
	[sflag:s5] =	ssyncadd.remote.s32 @!p0 $0x1  }
0xba: {  	s26 =	simm.s32 $execute0_lowered;
	[smem:$0x3FD2] =	sst s25  }
0xbb: {  	s6 =	sshll.u32 s26, $0x1;
	_ =	strace $0x80000050;
	[dreg:$0x1] =	wrdreg $0xFFFFFFFF  }
0xbc: {  	s28 =	simm.s32 $_size_execute0_lowered;
	s4 =	sadd.s32 s4, s6;
	[dreg:$0x0] =	wrdreg $0x0  }
0xbd: {  	s6 =	sshll.u32 s28, $0x1;
	[dreg:$0x2] =	wrdreg s4  }
0xbe: {  	[dreg:$0x3] =	wrdreg s6  }
0xbf: {  	[dreg:$0x4] =	wrdreg $0xC0  }
0xc0: {  	_ =	task [dreg:s22], $0x5FFFF  }
0xc1: {  	[dreg:$0x1] =	wrdreg $0xFFFFFFFF  }
0xc2: {  	[dreg:$0x0] =	wrdreg $0x60  }
0xc3: {  	[dreg:$0x2] =	wrdreg s24  }
0xc4: {  	[dreg:$0x3] =	wrdreg s17  }
0xc5: {  	[dreg:$0x4] =	wrdreg $0xA  }
0xc6: {  	_ =	task.clear_ibuf [dreg:s22], $0x5FFFF;
	_ =	strace $0x90000050  }
0xc7: {  	s29 =	simm.s32 $0xA;
	_ =	strace $0x80000059  }
0xc8: {  	_ =	swait.ge [sflag:s29], $0x1  }
0xc9: {  	[sflag:s29] =	ssyncadd.s32 $0xFFFFFFFF  }
0xca: {  	_ =	strace $0x90000059  }
0xcb: {  	_ =	sfence  }
0xcc: {  	s30 =	sld [smem:$0x0];
	_ =	sdelay $0x2  }
0xcd: {  	s31 =	sshll.u32 s1, $0xD;
	s1 =	sshrl.u32 s1, $0x2  }
0xce: {  	s4 =	sand.u32 $0x4000, s31;
	s1 =	sadd.s32 s1, s30  }
0xcf: {  	s0 =	sor.u32 s4, s0;
	s1 =	sshll.u32 s1, $0x11  }
0xd0: {  	s0 =	sor.u32 s1, s0  }
0xd1: {  	s0 =	sadd.s32 $0x8F2B, s0  }
0xd2: {  	[sflag:s0] =	ssyncadd.remote.s32 $0x1  }
0xd3: {  	_ =	sfence.sel $0xFFFF  }
0xd4: {  	[dreg:$0x0] =	wrdreg $0xFFFFFFFF;
	(pc) =	sbr.abs _section_cstart, $3  }
0xd5: {  	[dreg:$0x1] =	wrdreg $0xFFFFFFFF  }
0xd6: {  	_ =	task.clear_ibuf [dreg:s22], $0x2FFFF;
	_ =	strace $0x9FFFFFFF  }
0xd7: {  	(tm) =	ssettm $0x7FFFFFFF  }
tec
execute0_lowered:
.L_overlay_start_1:
0x0: {  	(tag) =	ssettag $0x1  }
0x1: {  	s5 =	rddreg [dreg:$0x0]  }
0x2: {  	s1 =	rddreg [dreg:$0x1]  }
0x3: {  	s0 =	rddreg [dreg:$0x2];
	s2 =	simm.s32 $0x0;
	s3 =	srdreg.scid  }
0x4: {  	s11 =	simm.s32 $0x80;
	s12 =	simm.s32 $0x5;
	s13 =	simm.s32 $0x0  }
0x5: {  	[smem:$0x7FF] =	sst s2;
	s6 =	sand.u32 $0x1, s3;
	s4 =	sadd.s32 $0x400, s5  }
0x6: {  	s3 =	stileid.u32;
	s5 =	sadd.s32 $0x32400, s5;
	s7 =	sshll.u32 s6, $0x4  }
0x7: {  	_ =	strace $0x80000051;
	s8 =	ssub.s32 $0x2, s6;
	s30 =	sor.u32 s3, s7  }
0x8: {  	p0 =	slt.u32 s30, $0x4;
	s9 =	sshll.u32 s30, $0x1;
	s6 =	sadd.s32 $0x4, s30  }
0x9: {  	s10 =	sshrl.u32 s8, $0x1;
	s7 =	simm.s32 $0x2;
	s6 =	smov.u32 @p0 s9  }
0xa: {  	s10 =	ssub.s32 s8, s10;
	s7 =	simm.s32 @!p0 $0x1;
	s31 =	sshll.u32 s6, $0x4  }
0xb: {  	s10 =	smax.u32 s10, $0x1;
	s9 =	sadd.s32 $0xFFFFFFFF, s7;
	s8 =	sadd.s32 s5, s31  }
.LBB2_1:
0xc: {  	_ =	strace $0x80000052;
	s20 =	simm.s32 $0x0  }
0xd: {  	s14 =	simm.s32 $0x0;
	s15 =	simm.s32 $0x0;
	s16 =	simm.s32 $0x0  }
0xe: {  	[tilespmem:s2], [sflag:$0x1] =	stream.linear.gather [hbm4b:s8+s2], $0x80, $0x200038;
	[tilespmem:$0x8100] =	vst v63  }
0xf: {  	s17 =	simm.s32 $0x1;
	s18 =	simm.s32 $0x0;
	_ =	strace $0x90000052  }
.LBB2_2:
0x10: {  	s19 =	sadd.s32 $0x1, s20  }
0x11: {  	p0 =	seq.s32 s19, s7  }
0x12: {  	s19 =	simm.s32 @p0 $0x0  }
0x13: {  	p3 =	slt.s32 s18, s9;
	p1 =	sne.s32 s20, s19  }
0x14: {  	p0 =	por !p3, !p1  }
0x15: {  	p0 =	por !p0, !p0  }
0x16: {  	s21 =	sadd.s32 @p0 s6, s19  }
0x17: {  	s22 =	sand.u32 @p0 $0x1, s17;
	s21 =	sshll.u32 @p0 s21, $0x4  }
0x18: {  	_ =	strace @p0 $0x80000053;
	s24 =	simm.s32 @p0 $0x0;
	s21 =	sand.u32 @p0 $0x1FFFFFF0, s21  }
0x19: {  	s23 =	sshll.u32 @p0 s22, $0x7;
	s22 =	sadd.s32 @p0 $0x1, s22;
	s21 =	sadd.s32 @p0 s5, s21  }
0x1a: {  	[tilespmem:s23], [sflag:s22] =	stream.linear.gather @p0 [hbm4b:s21+s24], $0x80, $0x200038;
	[tilespmem:$0x8100] =	vst v63  }
0x1b: {  	p2 =	seq.s32 s18, $0x0;
	s21 =	sor.u32 s9, s20  }
0x1c: {  	p3 =	seq.s32 @!p2 s21, $0x0  }
0x1d: {  	p2 =	por p2, !p3  }
0x1e: {  	_ =	strace @p0 $0x90000053;
	s22 =	sand.u32 @p2 $0x1, s16  }
0x1f: {  	_ =	strace @p2 $0x80000054;
	s22 =	sadd.s32 @p2 $0x1, s22  }
0x20: {  	s31 =	sshll.u32 s16, $0x7;
	_ =	swait.ge @p2 [sflag:s22], $0x80  }
0x21: {  	p4 =	seq.s32 s9, s18;
	p6 =	sne.s32 s18, $0x0;
	[sflag:s22] =	ssyncset.done @p2 $0x0  }
0x22: {  	p1 =	por p4, p1;
	[sflag:s22] =	ssyncadd.s32 @p2 $0xFFFFFF80;
	s22 =	sand.u32 $0x1, s15  }
0x23: {  	s24 =	sand.u32 $0x80, s31;
	_ =	strace @p2 $0x90000054;
	s30 =	sshll.u32 s22, $0xE  }
0x24: {  	s20 =	sadd.s32 s6, s20;
	_ =	strace $0x80000055;
	s23 =	sor.u32 $0x100, s30  }
0x25: {  	[tilespmem:s23], [sflag:$0x5] =	stream.indirect.gather [hbm4b:s4+s11], $0x80, s24, s11, $0x2000b8;
	[tilespmem:$0x8100] =	vst v63  }
0x26: {  	p5 =	sne.s32 s21, $0x0;
	s20 =	sshll.u32 @p1 s20, $0xB;
	_ =	swait.ge [sflag:s12], $0x4000  }
0x27: {  	s21 =	simm.s32 $0x1;
	s20 =	sand.u32 @p1 $0x1FFFF800, s20;
	[sflag:s12] =	ssyncset.done $0x0  }
0x28: {  	s21 =	simm.s32 @!p0 $0x0;
	s20 =	sadd.s32 @p1 s1, s20;
	[sflag:s12] =	ssyncadd.s32 $0xFFFFC000  }
0x29: {  	p2 =	por !p6, !p5;
	s22 =	sadd.s32 @p1 $0x3, s22;
	_ =	strace $0x90000055  }
0x2a: {  	p0 =	por !p2, !p2;
	s24 =	simm.s32 @p1 $0x0;
	_ =	strace @p1 $0x80000056  }
0x2b: {  	[hbm4b:s20+s24] =	stream.linear.scatter @p1 [tilespmem:s23], [sflag:s22], $0x4000, $0x200038;
	[tilespmem:$0x8100] =	vst v63  }
0x2c: {  	s18 =	sadd.s32 $0x1, s18;
	s20 =	simm.s32 $0x1;
	s22 =	sand.u32 @p0 $0x1, s14  }
0x2d: {  	_ =	strace @p1 $0x90000056;
	s20 =	simm.s32 @!p1 $0x0;
	p1 =	sne.s32 s7, s18  }
.Ltmp0:
0x2e: {  	s22 =	sadd.s32 @p0 $0x3, s22;
	_ =	strace @p0 $0x80000057;
	(pc) =	sbr.rel @p1 .LBB2_2-.Ltmp0, $4  }
0x2f: {  	s17 =	sadd.s32 s21, s17;
	s21 =	simm.s32 $0x1;
	_ =	swait.ge @p0 [sflag:s22], $0x4000  }
0x30: {  	s21 =	simm.s32 @!p0 $0x0;
	[sflag:s22] =	ssyncset.done @p0 $0x0  }
0x31: {  	s14 =	sadd.s32 s21, s14;
	s15 =	sadd.s32 s20, s15;
	[sflag:s22] =	ssyncadd.s32 @p0 $0xFFFFC000  }
0x32: {  	s16 =	sadd.s32 s20, s16;
	s20 =	smov.u32 s19;
	_ =	strace @p0 $0x90000057  }
0x33: {  	s13 =	sadd.s32 $0x1, s13  }
0x34: {  	s14 =	sand.u32 $0x1, s14;
	p0 =	sne.s32 s13, s10  }
.Ltmp1:
0x35: {  	_ =	strace $0x80000058;
	s14 =	sadd.s32 $0x3, s14;
	(pc) =	sbr.rel @p0 .LBB2_1-.Ltmp1, $4  }
0x36: {  	_ =	swait.ge [sflag:s14], $0x4000  }
0x37: {  	[sflag:s14] =	ssyncset.done $0x0  }
0x38: {  	[sflag:s14] =	ssyncadd.s32 $0xFFFFC000  }
0x39: {  	_ =	strace $0x90000058  }
0x3a: {  	_ =	sfence.sel $0x180000  }
0x3b: {  	[bflag:$0x0] =	sbarrier.arrive $0xFFFF  }
0x3c: {  	p0 =	sne.s32 s3, $0x0;
	_ =	strace $0x90000051  }
0x3d: {  	s0 =	sadd.s32 @!p0 $0x100000, s0;
	[bflag:$0x2] =	sbarrier.arrive $0xFFFF  }
0x3e: {  	[sflag:s0] =	ssyncadd.tile.s32 @!p0 $0x1;
	_ =	shalt  }
.Lfunc_end2:
_tile_overlayer_lowered:
.L_overlay_start_2:
0x3f: {  	(tag) =	ssettag $0x2  }
0x40: {  	s0 =	rddreg [dreg:$0x0];
	s2 =	stileid.u32  }
0x41: {  	s1 =	rddreg [dreg:$0x1];
	p0 =	sne.s32 s2, $0x0  }
0x42: {  	s3 =	rddreg [dreg:$0x2];
	[bflag:$0x3] =	sbarrier.arrive $0xFFFF;
	s2 =	simm.s32 @!p0 $0x1C01  }
0x43: {  	[timem:s3], [sflag:s2] =	dma.local @!p0 [hbm:s0], s1  }
0x44: {  	s0 =	simm.s32 @!p0 $0x1  }
0x45: {  	_ =	swait.ge @!p0 [sflag:s0], s1  }
0x46: {  	s1 =	ssub.s32 @!p0 $0x0, s1;
	[sflag:s0] =	ssyncset.done @!p0 $0x0  }
0x47: {  	[sflag:s0] =	ssyncadd.s32 @!p0 s1  }
0x48: {  	[bflag:$0x3] =	sbarrier.arrive $0xFFFF  }
0x49: {  	_ =	shalt  }

</sc_bundles>
